<compile_context>
chip_gen: v7x
topology: tpu7x:2x2x1
jax: 0.10.2.dev20260603
libtpu: 0.0.44.dev20260713+nightly
codegen_flags: <defaults>
</compile_context>

<pallas_src>
import functools

import jax
import jax.numpy as jnp
from jax import lax
from jax.experimental import pallas as pl
from jax.experimental.pallas import tpu as pltpu
from jax.experimental.pallas import tpu_sc as plsc

N = 10000
E = 320000
B = 16
EMB = 128
IN_F = 75
PH = 2560
LP = 256
HID = 1024
OUT = 256

NC = 2
NS = 16
NW = NC * NS
K = 128
CPW = 80
E_PAD = NW * CPW * K
NP = 10240
ROWS_T = NP // NS

_SC_MESH = plsc.VectorSubcoreMesh(
    core_axis_name="c", subcore_axis_name="s", num_cores=NC, num_subcores=NS)



def _sc_degree(src2, dst2, zeros_np):

  @functools.partial(
      pl.kernel,
      out_type=jax.ShapeDtypeStruct((NC, 2, NP, EMB), jnp.float32),
      mesh=_SC_MESH,
      scratch_types=[
          pltpu.VMEM((CPW, K), jnp.int32),
          pltpu.VMEM((CPW, K), jnp.int32),
          pltpu.VMEM((K, EMB), jnp.float32),
          pltpu.VMEM_SHARED((NP, EMB), jnp.float32),
          pltpu.SemaphoreType.DMA,
      ])
  def deg_kernel(src_hbm, dst_hbm, z_hbm, out_hbm, src_v, dst_v, ones_v, acc,
                 sem):
    c = lax.axis_index("c")
    s = lax.axis_index("s")
    wid = c * NS + s
    row0 = s * ROWS_T
    ones16 = jnp.ones((16,), jnp.float32)

    def fill_body(i, carry):
      ones_v[i // 8, pl.ds((i % 8) * 16, 16)] = ones16
      return carry

    lax.fori_loop(0, K * 8, fill_body, 0)
    pltpu.sync_copy(src_hbm.at[pl.ds(wid * CPW, CPW)], src_v)
    pltpu.sync_copy(dst_hbm.at[pl.ds(wid * CPW, CPW)], dst_v)
    pltpu.sync_copy(z_hbm.at[pl.ds(row0, ROWS_T)], acc.at[pl.ds(row0, ROWS_T)])
    plsc.subcore_barrier()

    def scatter_pass(idx_v, sem):
      def body(j, carry):
        pltpu.sync_copy(ones_v, acc.at[idx_v.at[j]], add=True)
        return carry

      lax.fori_loop(0, CPW, body, 0)

    scatter_pass(src_v, sem)
    plsc.subcore_barrier()
    pltpu.sync_copy(acc.at[pl.ds(row0, ROWS_T)],
                    out_hbm.at[c, 0, pl.ds(row0, ROWS_T)])
    pltpu.sync_copy(z_hbm.at[pl.ds(row0, ROWS_T)], acc.at[pl.ds(row0, ROWS_T)])
    plsc.subcore_barrier()
    scatter_pass(dst_v, sem)
    plsc.subcore_barrier()
    pltpu.sync_copy(acc.at[pl.ds(row0, ROWS_T)],
                    out_hbm.at[c, 1, pl.ds(row0, ROWS_T)])

  return deg_kernel(src2, dst2, zeros_np)


def _sc_spmm(m_nodes, src2, dst2, zeros_np):

  @functools.partial(
      pl.kernel,
      out_type=jax.ShapeDtypeStruct((NC, NP, EMB), jnp.float32),
      mesh=_SC_MESH,
      scratch_types=[
          pltpu.VMEM((CPW, K), jnp.int32),
          pltpu.VMEM((CPW, K), jnp.int32),
          pltpu.VMEM((K, EMB), jnp.float32),
          pltpu.VMEM_SHARED((NP, EMB), jnp.float32),
          pltpu.SemaphoreType.DMA,
      ])
  def spmm_kernel(m_hbm, src_hbm, dst_hbm, z_hbm, out_hbm,
                  src_v, dst_v, buf, acc, gs):
    c = lax.axis_index("c")
    s = lax.axis_index("s")
    wid = c * NS + s
    row0 = s * ROWS_T
    pltpu.sync_copy(z_hbm.at[pl.ds(row0, ROWS_T)], acc.at[pl.ds(row0, ROWS_T)])
    pltpu.sync_copy(src_hbm.at[pl.ds(wid * CPW, CPW)], src_v)
    pltpu.sync_copy(dst_hbm.at[pl.ds(wid * CPW, CPW)], dst_v)
    plsc.subcore_barrier()

    def outer(j, carry):
      pltpu.async_copy(m_hbm.at[src_v.at[j]], buf, gs).wait()
      pltpu.sync_copy(buf, acc.at[dst_v.at[j]], add=True)
      return carry

    lax.fori_loop(0, CPW, outer, 0)
    plsc.subcore_barrier()
    pltpu.sync_copy(acc.at[pl.ds(row0, ROWS_T)],
                    out_hbm.at[c, pl.ds(row0, ROWS_T)])

  return spmm_kernel(m_nodes, src2, dst2, zeros_np)



_BR = 1024


def _tc_init(x_pad, w0_pad, degs4):
  def body(x_ref, w_ref, d_ref, h_ref, m_ref, no_ref, ni_ref):
    h = jnp.dot(x_ref[...], w_ref[...], preferred_element_type=jnp.float32)
    d = d_ref[...]
    deg_o = d[0] + d[2]
    deg_i = d[1] + d[3]
    no = lax.rsqrt(jnp.maximum(deg_o, 1.0))
    ni = lax.rsqrt(jnp.maximum(deg_i, 1.0))
    h_ref[...] = h
    m_ref[...] = h * no
    no_ref[...] = no
    ni_ref[...] = ni

  return pl.pallas_call(
      body,
      grid=(NP // _BR,),
      in_specs=[
          pl.BlockSpec((_BR, 80), lambda i: (i, 0)),
          pl.BlockSpec((80, EMB), lambda i: (0, 0)),
          pl.BlockSpec((4, _BR, EMB), lambda i: (0, i, 0)),
      ],
      out_specs=[pl.BlockSpec((_BR, EMB), lambda i: (i, 0))] * 4,
      out_shape=[jax.ShapeDtypeStruct((NP, EMB), jnp.float32)] * 4,
  )(x_pad, w0_pad, degs4)


def _tc_layer(aggp, h, ni_b, no_b, wg, bg, wr, br):
  def body(a_ref, h_ref, ni_ref, no_ref, wg_ref, bg_ref, wr_ref, br_ref,
           hn_ref, m_ref):
    a = a_ref[...]
    agg = (a[0] + a[1]) * ni_ref[...]
    hprev = h_ref[...]
    out = jnp.maximum(
        jnp.dot(agg, wg_ref[...], preferred_element_type=jnp.float32)
        + bg_ref[...], 0.0)
    res = jnp.maximum(
        jnp.dot(hprev, wr_ref[...], preferred_element_type=jnp.float32)
        + br_ref[...], 0.0)
    hn = out + res
    hn_ref[...] = hn
    m_ref[...] = hn * no_ref[...]

  return pl.pallas_call(
      body,
      grid=(NP // _BR,),
      in_specs=[
          pl.BlockSpec((NC, _BR, EMB), lambda i: (0, i, 0)),
          pl.BlockSpec((_BR, EMB), lambda i: (i, 0)),
          pl.BlockSpec((_BR, EMB), lambda i: (i, 0)),
          pl.BlockSpec((_BR, EMB), lambda i: (i, 0)),
          pl.BlockSpec((EMB, EMB), lambda i: (0, 0)),
          pl.BlockSpec((1, EMB), lambda i: (0, 0)),
          pl.BlockSpec((EMB, EMB), lambda i: (0, 0)),
          pl.BlockSpec((1, EMB), lambda i: (0, 0)),
      ],
      out_specs=[pl.BlockSpec((_BR, EMB), lambda i: (i, 0))] * 2,
      out_shape=[jax.ShapeDtypeStruct((NP, EMB), jnp.float32)] * 2,
  )(aggp, h, ni_b, no_b, wg, bg, wr, br)


def _tc_protein(vp_flat, wp, bp):
  BRP = 512
  steps = (B * LP) // BRP

  def body(x_ref, w_ref, b_ref, vp_ref, s_ref, q_ref):
    v = jnp.maximum(
        jnp.dot(x_ref[...], w_ref[...], preferred_element_type=jnp.float32)
        + b_ref[...], 0.0)
    vp_ref[...] = v.reshape(vp_ref.shape)
    ssum = jnp.broadcast_to(jnp.sum(v, axis=0, keepdims=True), (8, EMB))
    ssq = jnp.broadcast_to(jnp.sum(v * v, axis=0, keepdims=True), (8, EMB))
    i = pl.program_id(0)

    @pl.when(i == 0)
    def _():
      s_ref[...] = ssum
      q_ref[...] = ssq

    @pl.when(i != 0)
    def _():
      s_ref[...] += ssum
      q_ref[...] += ssq

  return pl.pallas_call(
      body,
      grid=(steps,),
      in_specs=[
          pl.BlockSpec((BRP, PH), lambda i: (i, 0)),
          pl.BlockSpec((PH, EMB), lambda i: (0, 0)),
          pl.BlockSpec((1, EMB), lambda i: (0, 0)),
      ],
      out_specs=[
          pl.BlockSpec((BRP // LP, LP, EMB), lambda i: (i, 0, 0)),
          pl.BlockSpec((8, EMB), lambda i: (0, 0)),
          pl.BlockSpec((8, EMB), lambda i: (0, 0)),
      ],
      out_shape=[
          jax.ShapeDtypeStruct((B, LP, EMB), jnp.float32),
          jax.ShapeDtypeStruct((8, EMB), jnp.float32),
          jax.ShapeDtypeStruct((8, EMB), jnp.float32),
      ],
  )(vp_flat, wp, bp)


def _tc_final(vp3, ssum, ssq, vd3, cls2, gp, bpn,
              w1, b1, g1, be1, w2, b2, g2, be2, w3, b3, g3, be3, w4, b4):
  n_tok = float(B * LP)
  inv_sqrt_d = 1.0 / (EMB ** 0.5)

  def body(vp_ref, s_ref, q_ref, vd_ref, cls_ref, gp_ref, bpn_ref,
           w1_ref, b1_ref, g1_ref, be1_ref, w2_ref, b2_ref, g2_ref, be2_ref,
           w3_ref, b3_ref, g3_ref, be3_ref, w4_ref, b4_ref, o_ref):
    def bf(v):
      return v.astype(jnp.bfloat16).astype(jnp.float32)

    mean = s_ref[0:1, :] / n_tok
    var = q_ref[0:1, :] / n_tok - mean * mean
    vp = ((vp_ref[...] - mean[None]) / jnp.sqrt(var + 1e-5)[None]
          * gp_ref[...][None] + bpn_ref[...][None])
    vd = vd_ref[...]
    vp_b = bf(vp)
    vd_b = bf(vd)
    cls_b = bf(cls_ref[...])[None]
    sqrt_d = jnp.sqrt(jnp.float32(EMB))
    sp = jnp.sum(vp_b * cls_b, axis=2) / sqrt_d
    sd = jnp.sum(vd_b * cls_b, axis=2) / sqrt_d
    mx = jnp.maximum(jnp.max(sp, axis=1, keepdims=True),
                     jnp.max(sd, axis=1, keepdims=True))
    ep = jnp.exp(sp - mx)
    ed = jnp.exp(sd - mx)
    den = (jnp.sum(ep, axis=1, keepdims=True)
           + jnp.sum(ed, axis=1, keepdims=True))
    ap = bf(ep / den)
    ad = bf(ed / den)
    z = (jnp.sum(ap[:, :, None] * vp_b, axis=1)
         + jnp.sum(ad[:, :, None] * vd_b, axis=1))

    def bn(hh, g, bb):
      mu = jnp.mean(hh, axis=0, keepdims=True)
      va = jnp.mean((hh - mu) * (hh - mu), axis=0, keepdims=True)
      return (hh - mu) / jnp.sqrt(va + 1e-5) * g + bb

    h1 = bn(jnp.maximum(
        jnp.dot(z, w1_ref[...], preferred_element_type=jnp.float32)
        + b1_ref[...], 0.0), g1_ref[...], be1_ref[...])
    h2 = bn(jnp.maximum(
        jnp.dot(h1, w2_ref[...], preferred_element_type=jnp.float32)
        + b2_ref[...], 0.0), g2_ref[...], be2_ref[...])
    h3 = bn(jnp.maximum(
        jnp.dot(h2, w3_ref[...], preferred_element_type=jnp.float32)
        + b3_ref[...], 0.0), g3_ref[...], be3_ref[...])
    o_ref[...] = (jnp.dot(h3, w4_ref[...], preferred_element_type=jnp.float32)
                  + b4_ref[...])

  nd = N // B
  full = lambda shp: pl.BlockSpec(shp, lambda: tuple(0 for _ in shp))
  return pl.pallas_call(
      body,
      grid=(),
      in_specs=[
          full((B, LP, EMB)), full((8, EMB)), full((8, EMB)),
          full((B, nd, EMB)), full((1, EMB)), full((1, EMB)), full((1, EMB)),
          full((EMB, HID)), full((1, HID)), full((1, HID)), full((1, HID)),
          full((HID, HID)), full((1, HID)), full((1, HID)), full((1, HID)),
          full((HID, OUT)), full((1, OUT)), full((1, OUT)), full((1, OUT)),
          full((OUT, 1)), full((1, 1)),
      ],
      out_specs=full((B, 1)),
      out_shape=jax.ShapeDtypeStruct((B, 1), jnp.float32),
  )(vp3, ssum, ssq, vd3, cls2, gp, bpn,
    w1, b1, g1, be1, w2, b2, g2, be2, w3, b3, g3, be3, w4, b4)



def kernel(x, edge_index, v_p, params):
  src = edge_index[0]
  dst = edge_index[1]
  pad = E_PAD - E
  src2 = jnp.concatenate([src, jnp.full((pad,), N, jnp.int32)]).reshape(-1, K)
  dst2 = jnp.concatenate([dst, jnp.full((pad,), N, jnp.int32)]).reshape(-1, K)
  x_pad = jnp.pad(x, ((0, NP - N), (0, 80 - IN_F)))
  w0_pad = jnp.pad(params['W0'], ((0, 80 - IN_F), (0, 0)))
  zeros_np = jnp.zeros((NP, EMB), jnp.float32)

  degs = _sc_degree(src2, dst2, zeros_np)
  degs4 = degs.reshape(4, NP, EMB)
  h, m, no_b, ni_b = _tc_init(x_pad, w0_pad, degs4)
  for layer in params['gcn']:
    aggp = _sc_spmm(m, src2, dst2, zeros_np)
    h, m = _tc_layer(aggp, h, ni_b, no_b,
                     layer['Wg'], layer['bg'].reshape(1, -1),
                     layer['Wr'], layer['br'].reshape(1, -1))

  vp3, ssum, ssq = _tc_protein(v_p.reshape(B * LP, PH), params['Wp'],
                               params['bp'].reshape(1, -1))
  vd3 = h[:N].reshape(B, N // B, EMB)
  out = _tc_final(
      vp3, ssum, ssq, vd3, params['cls'].reshape(1, EMB),
      params['gp'].reshape(1, -1), params['bpn'].reshape(1, -1),
      params['W1'], params['b1'].reshape(1, -1),
      params['g1'].reshape(1, -1), params['be1'].reshape(1, -1),
      params['W2'], params['b2'].reshape(1, -1),
      params['g2'].reshape(1, -1), params['be2'].reshape(1, -1),
      params['W3'], params['b3'].reshape(1, -1),
      params['g3'].reshape(1, -1), params['be3'].reshape(1, -1),
      params['W4'], params['b4'].reshape(1, -1))
  return out

# --- scband reference (transcript-rebuilt; emitter-appended) ---
"""Pipeline reference for scband-model-64922725646644 (READ-ONLY COPY).

The authoritative reference and input builder live on the scoring server;
editing this copy changes nothing except your own understanding.
"""

import jax, jax.numpy as jnp
import numpy as np

N = 10000
E = 320000
B = 16
EMB = 128
IN_FEATS = 75
PH = 2560
LP = 256
HID = 1024
OUT = 256

def _init(key):
    ks = jax.random.split(key, 24)
    def w(k, shape):
        return jax.random.normal(k, shape, dtype=jnp.float32) * 0.02
    W0 = w(ks[0], (IN_FEATS, EMB))
    W0 = W0.at[:, -1].set(0.0)
    gcn = []
    for i in range(3):
        gcn.append({
            'Wg': w(ks[1 + 4 * i], (EMB, EMB)),
            'bg': jnp.zeros((EMB,), jnp.float32),
            'Wr': w(ks[2 + 4 * i], (EMB, EMB)),
            'br': jnp.zeros((EMB,), jnp.float32),
        })
    params = {
        'W0': W0,
        'gcn': gcn,
        'Wp': w(ks[13], (PH, EMB)), 'bp': jnp.zeros((EMB,), jnp.float32),
        'gp': jnp.ones((EMB,), jnp.float32), 'bpn': jnp.zeros((EMB,), jnp.float32),
        'cls': jax.random.normal(ks[14], (1, 1, EMB), dtype=jnp.float32),
        'W1': w(ks[15], (EMB, HID)), 'b1': jnp.zeros((HID,), jnp.float32),
        'g1': jnp.ones((HID,), jnp.float32), 'be1': jnp.zeros((HID,), jnp.float32),
        'W2': w(ks[16], (HID, HID)), 'b2': jnp.zeros((HID,), jnp.float32),
        'g2': jnp.ones((HID,), jnp.float32), 'be2': jnp.zeros((HID,), jnp.float32),
        'W3': w(ks[17], (HID, OUT)), 'b3': jnp.zeros((OUT,), jnp.float32),
        'g3': jnp.ones((OUT,), jnp.float32), 'be3': jnp.zeros((OUT,), jnp.float32),
        'W4': w(ks[18], (OUT, 1)), 'b4': jnp.zeros((1,), jnp.float32),
    }
    return params

def setup_inputs(seed: int = 0):
    key = jax.random.key(seed)
    k1, k2, k3, k4 = jax.random.split(key, 4)
    x = jax.random.normal(k1, (N, IN_FEATS), dtype=jnp.float32)
    edge_index = jax.random.randint(k2, (2, E), 0, N, dtype=jnp.int32)
    v_p = jax.random.normal(k3, (B, LP, PH), dtype=jnp.float32)
    params = _init(k4)
    return {'x': x, 'edge_index': edge_index, 'v_p': v_p, 'params': params}

def _bn(h, g, b, axes):
    m = h.mean(axis=axes, keepdims=True)
    v = h.var(axis=axes, keepdims=True)
    return (h - m) / jnp.sqrt(v + 1e-5) * g + b

def _forward(x, v_p, params, edge_index):
    src = edge_index[0]
    dst = edge_index[1]
    n = x.shape[0]
    ones = jnp.ones((src.shape[0],), jnp.float32)
    deg_out = jnp.maximum(jax.ops.segment_sum(ones, src, num_segments=n), 1.0)
    deg_in = jnp.maximum(jax.ops.segment_sum(ones, dst, num_segments=n), 1.0)
    norm_o = deg_out ** -0.5
    norm_i = deg_in ** -0.5
    # MolecularGCN: init_transform (no bias, last out-channel zeroed) + 3 GraphConv layers (norm='both', residual)
    h = x @ params['W0']
    for layer in params['gcn']:
        m = h * norm_o[:, None]
        agg = jax.ops.segment_sum(m[src], dst, num_segments=n)
        agg = agg * norm_i[:, None]
        out = jax.nn.relu(agg @ layer['Wg'] + layer['bg'])
        res = jax.nn.relu(h @ layer['Wr'] + layer['br'])
        h = out + res
    v_d = h.reshape(B, -1, EMB)
    # ProteinCNN: Linear -> relu -> BatchNorm1d over channel dim (train-mode batch stats)
    vp = jax.nn.relu(v_p @ params['Wp'] + params['bp'])
    vp = _bn(vp, params['gp'], params['bpn'], (0, 1))
    # aggregation (depth=1): cls-token cross-attention over concat(protein, drug) tokens
    cls = jnp.broadcast_to(params['cls'], (B, 1, EMB))
    ctx = jnp.concatenate([vp, v_d], axis=1)
    attn = jax.nn.softmax(jnp.einsum('bqd,bkd->bqk', cls, ctx) / jnp.sqrt(float(EMB)), axis=-1)
    z = jnp.einsum('bqk,bkd->bqd', attn, ctx)[:, 0, :]
    # Decoder: 3x (Linear -> relu -> BN) + final Linear
    h1 = _bn(jax.nn.relu(z @ params['W1'] + params['b1']), params['g1'], params['be1'], (0,))
    h2 = _bn(jax.nn.relu(h1 @ params['W2'] + params['b2']), params['g2'], params['be2'], (0,))
    h3 = _bn(jax.nn.relu(h2 @ params['W3'] + params['b3']), params['g3'], params['be3'], (0,))
    return h3 @ params['W4'] + params['b4']

def reference(x, edge_index, v_p, params):
    return _forward(x, v_p, params, edge_index)

if __name__ == "__main__":
    import jax
    _d = setup_inputs()
    print(jax.jit(kernel)(*tuple(_d.values())))

</pallas_src>

<mosaic_0001>
#map = affine_map<(d0, d1) -> (0, 0)>
#map1 = affine_map<(d0, d1) -> (0, 0, 0, 0)>
module attributes {stable_mosaic.version = 14 : i64} {
  func.func @deg_kernel(%arg0: i32, %arg1: i32, %arg2: memref<2560x128xi32, #tpu.memory_space<hbm>>, %arg3: memref<2560x128xi32, #tpu.memory_space<hbm>>, %arg4: memref<10240x128xf32, #tpu.memory_space<hbm>>, %arg5: memref<2x2x10240x128xf32, #tpu.memory_space<hbm>>, %arg6: memref<80x128xi32, #tpu.memory_space<vmem>>, %arg7: memref<80x128xi32, #tpu.memory_space<vmem>>, %arg8: memref<128x128xf32, #tpu.memory_space<vmem>>, %arg9: memref<10240x128xf32, #tpu.memory_space<vmem_shared>>, %arg10: memref<!tpu.dma_semaphore, #tpu.memory_space<semaphore_mem>>) attributes {dimension_semantics = [#tpu.dimension_semantics<core_parallel>, #tpu.dimension_semantics<subcore_parallel>], iteration_bounds = array<i64: 2, 16>, scalar_prefetch = 0 : i64, scratch_operands = 5 : i64, tpu.core_type = #tpu.core_type<sc_vector_subcore>, window_params = [{transform_indices = #map}, {transform_indices = #map}, {transform_indices = #map}, {transform_indices = #map1}]} {
    %mul3A = arith.constant 16 : i32
    %mul3A_0 = arith.muli %arg0, %mul3A : i32
    %add3A = arith.addi %mul3A_0, %arg1 : i32
    %mul3A_1 = arith.constant 640 : i32
    %mul3A_2 = arith.muli %arg1, %mul3A_1 : i32
    %broadcast_in_dim3A = arith.constant 1.000000e+00 : f32
    %broadcast_in_dim3A_3 = vector.broadcast %broadcast_in_dim3A : f32 to vector<16xf32>
    %scan3A = arith.constant 0 : i32
    %scan3A_4 = arith.constant 0 : i32
    %scan3A_5 = arith.constant 1024 : i32
    %scan3A_6 = arith.addi %scan3A_4, %scan3A_5 : i32
    %scan3A_7 = arith.constant 1 : i32
    scf.for %scan3A_29 = %scan3A_4 to %scan3A_6 step %scan3A_7  : i32 {
      %jit3A = arith.constant 8 : i32
      %div3A = arith.divsi %scan3A_29, %jit3A : i32
      %sign3A = arith.constant 0 : i32
      %sign3A_30 = arith.cmpi sgt, %scan3A_29, %sign3A : i32
      %sign3A_31 = arith.extui %sign3A_30 : i1 to i32
      %sign3A_32 = arith.constant 0 : i32
      %sign3A_33 = arith.cmpi slt, %scan3A_29, %sign3A_32 : i32
      %sign3A_34 = arith.extui %sign3A_33 : i1 to i32
      %sign3A_35 = arith.subi %sign3A_31, %sign3A_34 : i32
      %sign3A_36 = arith.constant 0 : i32
      %sign3A_37 = arith.cmpi sgt, %jit3A, %sign3A_36 : i32
      %sign3A_38 = arith.extui %sign3A_37 : i1 to i32
      %sign3A_39 = arith.constant 0 : i32
      %sign3A_40 = arith.cmpi slt, %jit3A, %sign3A_39 : i32
      %sign3A_41 = arith.extui %sign3A_40 : i1 to i32
      %sign3A_42 = arith.subi %sign3A_38, %sign3A_41 : i32
      %ne3A = arith.cmpi ne, %sign3A_35, %sign3A_42 : i32
      %rem3A = arith.remsi %scan3A_29, %jit3A : i32
      %ne3A_43 = arith.constant 0 : i32
      %ne3A_44 = arith.cmpi ne, %rem3A, %ne3A_43 : i32
      %and3A = arith.andi %ne3A, %ne3A_44 : i1
      %sub3A = arith.constant 1 : i32
      %sub3A_45 = arith.subi %div3A, %sub3A : i32
      %select_n3A = arith.select %and3A, %sub3A_45, %div3A : i32
      %jit3A_46 = arith.constant 8 : i32
      %eq3A = arith.constant 0 : i32
      %eq3A_47 = arith.cmpi eq, %jit3A_46, %eq3A : i32
      %jit3A_48 = arith.constant 1 : i32
      %select_n3A_49 = arith.select %eq3A_47, %jit3A_48, %jit3A_46 : i32
      %rem3A_50 = arith.remsi %scan3A_29, %select_n3A_49 : i32
      %ne3A_51 = arith.constant 0 : i32
      %ne3A_52 = arith.cmpi ne, %rem3A_50, %ne3A_51 : i32
      %lt3A = arith.constant 0 : i32
      %lt3A_53 = arith.cmpi slt, %rem3A_50, %lt3A : i32
      %lt3A_54 = arith.constant 0 : i32
      %lt3A_55 = arith.cmpi slt, %select_n3A_49, %lt3A_54 : i32
      %ne3A_56 = arith.xori %lt3A_53, %lt3A_55 : i1
      %and3A_57 = arith.andi %ne3A_56, %ne3A_52 : i1
      %add3A_58 = arith.addi %rem3A_50, %select_n3A_49 : i32
      %select_n3A_59 = arith.select %and3A_57, %add3A_58, %rem3A_50 : i32
      %mul3A_60 = arith.constant 16 : i32
      %mul3A_61 = arith.muli %select_n3A_59, %mul3A_60 : i32
      %swap3A = arith.index_cast %select_n3A : i32 to index
      %swap3A_62 = arith.index_cast %mul3A_61 : i32 to index
      %swap3A_63 = tpu.vector_load %arg8[%swap3A, %swap3A_62] {strides = array<i32>} : memref<128x128xf32, #tpu.memory_space<vmem>>, vector<1x16xf32>,
      %swap3A_64 = vector.shape_cast %swap3A_63 : vector<1x16xf32> to vector<16xf32>
      %swap3A_65 = vector.shape_cast %broadcast_in_dim3A_3 : vector<16xf32> to vector<1x16xf32>
      tpu.vector_store %arg8[%swap3A, %swap3A_62], %swap3A_65 {strides = array<i32>} : memref<128x128xf32, #tpu.memory_space<vmem>>, vector<1x16xf32>,
    }
    %scan3A_8 = arith.constant 1024 : i32
    %mul3A_9 = arith.constant 80 : i32
    %mul3A_10 = arith.muli %add3A, %mul3A_9 : i32
    "tpu.region"() ({
      %run_scoped3A_29 = tpu.sem_alloc : memref<!tpu.dma_semaphore, #tpu.memory_space<semaphore_mem>>
      %dma_start3A = arith.constant 0 : i32
      %dma_start3A_30 = tpu.memref_slice %arg2[%mul3A_10, %dma_start3A] : memref<2560x128xi32, #tpu.memory_space<hbm>> -> memref<80x128xi32, #tpu.memory_space<hbm>>
      %dma_start3A_31 = arith.constant 0 : i32
      %dma_start3A_32 = tpu.memref_slice %arg2[%mul3A_10, %dma_start3A_31] : memref<2560x128xi32, #tpu.memory_space<hbm>> -> memref<80x128xi32, #tpu.memory_space<hbm>>
      tpu.enqueue_dma source(%dma_start3A_32 : memref<80x128xi32, #tpu.memory_space<hbm>>) target(%arg6 : memref<80x128xi32, #tpu.memory_space<vmem>>) target_semaphore(%run_scoped3A_29 : memref<!tpu.dma_semaphore, #tpu.memory_space<semaphore_mem>>)
      %dma_wait3A = arith.constant 0 : i32
      %dma_wait3A_33 = tpu.memref_slice %arg2[%mul3A_10, %dma_wait3A] : memref<2560x128xi32, #tpu.memory_space<hbm>> -> memref<80x128xi32, #tpu.memory_space<hbm>>
      %dma_wait3A_34 = arith.constant 0 : i32
      %dma_wait3A_35 = tpu.memref_slice %arg2[%mul3A_10, %dma_wait3A_34] : memref<2560x128xi32, #tpu.memory_space<hbm>> -> memref<80x128xi32, #tpu.memory_space<hbm>>
      tpu.wait_dma2 semaphore(%run_scoped3A_29 : memref<!tpu.dma_semaphore, #tpu.memory_space<semaphore_mem>>) src(%dma_wait3A_35 : memref<80x128xi32, #tpu.memory_space<hbm>>) dst(%arg6 : memref<80x128xi32, #tpu.memory_space<vmem>>)
      tpu.yield
    }) : () -> ()
    %mul3A_11 = arith.constant 80 : i32
    %mul3A_12 = arith.muli %add3A, %mul3A_11 : i32
    "tpu.region"() ({
      %run_scoped3A_29 = tpu.sem_alloc : memref<!tpu.dma_semaphore, #tpu.memory_space<semaphore_mem>>
      %dma_start3A = arith.constant 0 : i32
      %dma_start3A_30 = tpu.memref_slice %arg3[%mul3A_12, %dma_start3A] : memref<2560x128xi32, #tpu.memory_space<hbm>> -> memref<80x128xi32, #tpu.memory_space<hbm>>
      %dma_start3A_31 = arith.constant 0 : i32
      %dma_start3A_32 = tpu.memref_slice %arg3[%mul3A_12, %dma_start3A_31] : memref<2560x128xi32, #tpu.memory_space<hbm>> -> memref<80x128xi32, #tpu.memory_space<hbm>>
      tpu.enqueue_dma source(%dma_start3A_32 : memref<80x128xi32, #tpu.memory_space<hbm>>) target(%arg7 : memref<80x128xi32, #tpu.memory_space<vmem>>) target_semaphore(%run_scoped3A_29 : memref<!tpu.dma_semaphore, #tpu.memory_space<semaphore_mem>>)
      %dma_wait3A = arith.constant 0 : i32
      %dma_wait3A_33 = tpu.memref_slice %arg3[%mul3A_12, %dma_wait3A] : memref<2560x128xi32, #tpu.memory_space<hbm>> -> memref<80x128xi32, #tpu.memory_space<hbm>>
      %dma_wait3A_34 = arith.constant 0 : i32
      %dma_wait3A_35 = tpu.memref_slice %arg3[%mul3A_12, %dma_wait3A_34] : memref<2560x128xi32, #tpu.memory_space<hbm>> -> memref<80x128xi32, #tpu.memory_space<hbm>>
      tpu.wait_dma2 semaphore(%run_scoped3A_29 : memref<!tpu.dma_semaphore, #tpu.memory_space<semaphore_mem>>) src(%dma_wait3A_35 : memref<80x128xi32, #tpu.memory_space<hbm>>) dst(%arg7 : memref<80x128xi32, #tpu.memory_space<vmem>>)
      tpu.yield
    }) : () -> ()
    "tpu.region"() ({
      %run_scoped3A_29 = tpu.sem_alloc : memref<!tpu.dma_semaphore, #tpu.memory_space<semaphore_mem>>
      %dma_start3A = arith.constant 0 : i32
      %dma_start3A_30 = tpu.memref_slice %arg9[%mul3A_2, %dma_start3A] : memref<10240x128xf32, #tpu.memory_space<vmem_shared>> -> memref<640x128xf32, #tpu.memory_space<vmem_shared>>
      %dma_start3A_31 = arith.constant 0 : i32
      %dma_start3A_32 = tpu.memref_slice %arg4[%mul3A_2, %dma_start3A_31] : memref<10240x128xf32, #tpu.memory_space<hbm>> -> memref<640x128xf32, #tpu.memory_space<hbm>>
      tpu.enqueue_dma source(%dma_start3A_32 : memref<640x128xf32, #tpu.memory_space<hbm>>) target(%dma_start3A_30 : memref<640x128xf32, #tpu.memory_space<vmem_shared>>) target_semaphore(%run_scoped3A_29 : memref<!tpu.dma_semaphore, #tpu.memory_space<semaphore_mem>>)
      %dma_wait3A = arith.constant 0 : i32
      %dma_wait3A_33 = tpu.memref_slice %arg9[%mul3A_2, %dma_wait3A] : memref<10240x128xf32, #tpu.memory_space<vmem_shared>> -> memref<640x128xf32, #tpu.memory_space<vmem_shared>>
      %dma_wait3A_34 = arith.constant 0 : i32
      %dma_wait3A_35 = tpu.memref_slice %arg4[%mul3A_2, %dma_wait3A_34] : memref<10240x128xf32, #tpu.memory_space<hbm>> -> memref<640x128xf32, #tpu.memory_space<hbm>>
      tpu.wait_dma2 semaphore(%run_scoped3A_29 : memref<!tpu.dma_semaphore, #tpu.memory_space<semaphore_mem>>) src(%dma_wait3A_35 : memref<640x128xf32, #tpu.memory_space<hbm>>) dst(%dma_wait3A_33 : memref<640x128xf32, #tpu.memory_space<vmem_shared>>)
      tpu.yield
    }) : () -> ()
    %barrier3A = arith.constant 0 : index
    tpu.barrier barrier_id(%barrier3A)
    %scan3A_13 = arith.constant 0 : i32
    %scan3A_14 = arith.constant 0 : i32
    %scan3A_15 = arith.constant 80 : i32
    %scan3A_16 = arith.addi %scan3A_14, %scan3A_15 : i32
    %scan3A_17 = arith.constant 1 : i32
    scf.for %scan3A_29 = %scan3A_14 to %scan3A_16 step %scan3A_17  : i32 {
      "tpu.region"() ({
        %run_scoped3A_30 = tpu.sem_alloc : memref<!tpu.dma_semaphore, #tpu.memory_space<semaphore_mem>>
        %dma_start3A = arith.constant 0 : i32
        %dma_start3A_31 = tpu.memref_slice %arg6[%scan3A_29, %dma_start3A] : memref<80x128xi32, #tpu.memory_space<vmem>> -> memref<1x128xi32, #tpu.memory_space<vmem>>
        %dma_start3A_32 = tpu.memref_squeeze %dma_start3A_31 : memref<1x128xi32, #tpu.memory_space<vmem>> -> memref<128xi32, #tpu.memory_space<vmem>>
        %dma_start3A_33 = arith.constant 0 : i32
        %dma_start3A_34 = arith.constant 0 : i32
        %dma_start3A_35 = tpu.memref_slice %arg9[%dma_start3A_33, %dma_start3A_34] : memref<10240x128xf32, #tpu.memory_space<vmem_shared>> -> memref<10240x128xf32, #tpu.memory_space<vmem_shared>>
        tpu.enqueue_indirect_dma source(%arg8 : memref<128x128xf32, #tpu.memory_space<vmem>>) target(%dma_start3A_35 : memref<10240x128xf32, #tpu.memory_space<vmem_shared>>) offsets(%dma_start3A_32 : memref<128xi32, #tpu.memory_space<vmem>>) semaphore(%run_scoped3A_30 : memref<!tpu.dma_semaphore, #tpu.memory_space<semaphore_mem>>) {add = true}
        %dma_wait3A = arith.constant 0 : i32
        %dma_wait3A_36 = tpu.memref_slice %arg6[%scan3A_29, %dma_wait3A] : memref<80x128xi32, #tpu.memory_space<vmem>> -> memref<1x128xi32, #tpu.memory_space<vmem>>
        %dma_wait3A_37 = tpu.memref_squeeze %dma_wait3A_36 : memref<1x128xi32, #tpu.memory_space<vmem>> -> memref<128xi32, #tpu.memory_space<vmem>>
        %dma_wait3A_38 = arith.constant 0 : i32
        %dma_wait3A_39 = arith.constant 0 : i32
        %dma_wait3A_40 = tpu.memref_slice %arg9[%dma_wait3A_38, %dma_wait3A_39] : memref<10240x128xf32, #tpu.memory_space<vmem_shared>> -> memref<10240x128xf32, #tpu.memory_space<vmem_shared>>
        tpu.wait_indirect_dma semaphore(%run_scoped3A_30 : memref<!tpu.dma_semaphore, #tpu.memory_space<semaphore_mem>>) src(%arg8 : memref<128x128xf32, #tpu.memory_space<vmem>>) dst(%dma_wait3A_40 : memref<10240x128xf32, #tpu.memory_space<vmem_shared>>)
        tpu.yield
      }) : () -> ()
    }
    %scan3A_18 = arith.constant 80 : i32
    %barrier3A_19 = arith.constant 0 : index
    tpu.barrier barrier_id(%barrier3A_19)
    %run_scoped3A = arith.constant 0 : i32
    "tpu.region"() ({
      %run_scoped3A_29 = tpu.sem_alloc : memref<!tpu.dma_semaphore, #tpu.memory_space<semaphore_mem>>
      %dma_start3A = arith.constant 0 : i32
      %dma_start3A_30 = tpu.memref_slice %arg5[%arg0, %run_scoped3A, %mul3A_2, %dma_start3A] : memref<2x2x10240x128xf32, #tpu.memory_space<hbm>> -> memref<1x1x640x128xf32, #tpu.memory_space<hbm>>
      %dma_start3A_31 = tpu.memref_squeeze %dma_start3A_30 : memref<1x1x640x128xf32, #tpu.memory_space<hbm>> -> memref<640x128xf32, #tpu.memory_space<hbm>>
      %dma_start3A_32 = arith.constant 0 : i32
      %dma_start3A_33 = tpu.memref_slice %arg9[%mul3A_2, %dma_start3A_32] : memref<10240x128xf32, #tpu.memory_space<vmem_shared>> -> memref<640x128xf32, #tpu.memory_space<vmem_shared>>
      tpu.enqueue_dma source(%dma_start3A_33 : memref<640x128xf32, #tpu.memory_space<vmem_shared>>) target(%dma_start3A_31 : memref<640x128xf32, #tpu.memory_space<hbm>>) target_semaphore(%run_scoped3A_29 : memref<!tpu.dma_semaphore, #tpu.memory_space<semaphore_mem>>)
      %dma_wait3A = arith.constant 0 : i32
      %dma_wait3A_34 = tpu.memref_slice %arg5[%arg0, %run_scoped3A, %mul3A_2, %dma_wait3A] : memref<2x2x10240x128xf32, #tpu.memory_space<hbm>> -> memref<1x1x640x128xf32, #tpu.memory_space<hbm>>
      %dma_wait3A_35 = tpu.memref_squeeze %dma_wait3A_34 : memref<1x1x640x128xf32, #tpu.memory_space<hbm>> -> memref<640x128xf32, #tpu.memory_space<hbm>>
      %dma_wait3A_36 = arith.constant 0 : i32
      %dma_wait3A_37 = tpu.memref_slice %arg9[%mul3A_2, %dma_wait3A_36] : memref<10240x128xf32, #tpu.memory_space<vmem_shared>> -> memref<640x128xf32, #tpu.memory_space<vmem_shared>>
      tpu.wait_dma2 semaphore(%run_scoped3A_29 : memref<!tpu.dma_semaphore, #tpu.memory_space<semaphore_mem>>) src(%dma_wait3A_37 : memref<640x128xf32, #tpu.memory_space<vmem_shared>>) dst(%dma_wait3A_35 : memref<640x128xf32, #tpu.memory_space<hbm>>)
      tpu.yield
    }) : () -> ()
    "tpu.region"() ({
      %run_scoped3A_29 = tpu.sem_alloc : memref<!tpu.dma_semaphore, #tpu.memory_space<semaphore_mem>>
      %dma_start3A = arith.constant 0 : i32
      %dma_start3A_30 = tpu.memref_slice %arg9[%mul3A_2, %dma_start3A] : memref<10240x128xf32, #tpu.memory_space<vmem_shared>> -> memref<640x128xf32, #tpu.memory_space<vmem_shared>>
      %dma_start3A_31 = arith.constant 0 : i32
      %dma_start3A_32 = tpu.memref_slice %arg4[%mul3A_2, %dma_start3A_31] : memref<10240x128xf32, #tpu.memory_space<hbm>> -> memref<640x128xf32, #tpu.memory_space<hbm>>
      tpu.enqueue_dma source(%dma_start3A_32 : memref<640x128xf32, #tpu.memory_space<hbm>>) target(%dma_start3A_30 : memref<640x128xf32, #tpu.memory_space<vmem_shared>>) target_semaphore(%run_scoped3A_29 : memref<!tpu.dma_semaphore, #tpu.memory_space<semaphore_mem>>)
      %dma_wait3A = arith.constant 0 : i32
      %dma_wait3A_33 = tpu.memref_slice %arg9[%mul3A_2, %dma_wait3A] : memref<10240x128xf32, #tpu.memory_space<vmem_shared>> -> memref<640x128xf32, #tpu.memory_space<vmem_shared>>
      %dma_wait3A_34 = arith.constant 0 : i32
      %dma_wait3A_35 = tpu.memref_slice %arg4[%mul3A_2, %dma_wait3A_34] : memref<10240x128xf32, #tpu.memory_space<hbm>> -> memref<640x128xf32, #tpu.memory_space<hbm>>
      tpu.wait_dma2 semaphore(%run_scoped3A_29 : memref<!tpu.dma_semaphore, #tpu.memory_space<semaphore_mem>>) src(%dma_wait3A_35 : memref<640x128xf32, #tpu.memory_space<hbm>>) dst(%dma_wait3A_33 : memref<640x128xf32, #tpu.memory_space<vmem_shared>>)
      tpu.yield
    }) : () -> ()
    %barrier3A_20 = arith.constant 0 : index
    tpu.barrier barrier_id(%barrier3A_20)
    %scan3A_21 = arith.constant 0 : i32
    %scan3A_22 = arith.constant 0 : i32
    %scan3A_23 = arith.constant 80 : i32
    %scan3A_24 = arith.addi %scan3A_22, %scan3A_23 : i32
    %scan3A_25 = arith.constant 1 : i32
    scf.for %scan3A_29 = %scan3A_22 to %scan3A_24 step %scan3A_25  : i32 {
      "tpu.region"() ({
        %run_scoped3A_30 = tpu.sem_alloc : memref<!tpu.dma_semaphore, #tpu.memory_space<semaphore_mem>>
        %dma_start3A = arith.constant 0 : i32
        %dma_start3A_31 = tpu.memref_slice %arg7[%scan3A_29, %dma_start3A] : memref<80x128xi32, #tpu.memory_space<vmem>> -> memref<1x128xi32, #tpu.memory_space<vmem>>
        %dma_start3A_32 = tpu.memref_squeeze %dma_start3A_31 : memref<1x128xi32, #tpu.memory_space<vmem>> -> memref<128xi32, #tpu.memory_space<vmem>>
        %dma_start3A_33 = arith.constant 0 : i32
        %dma_start3A_34 = arith.constant 0 : i32
        %dma_start3A_35 = tpu.memref_slice %arg9[%dma_start3A_33, %dma_start3A_34] : memref<10240x128xf32, #tpu.memory_space<vmem_shared>> -> memref<10240x128xf32, #tpu.memory_space<vmem_shared>>
        tpu.enqueue_indirect_dma source(%arg8 : memref<128x128xf32, #tpu.memory_space<vmem>>) target(%dma_start3A_35 : memref<10240x128xf32, #tpu.memory_space<vmem_shared>>) offsets(%dma_start3A_32 : memref<128xi32, #tpu.memory_space<vmem>>) semaphore(%run_scoped3A_30 : memref<!tpu.dma_semaphore, #tpu.memory_space<semaphore_mem>>) {add = true}
        %dma_wait3A = arith.constant 0 : i32
        %dma_wait3A_36 = tpu.memref_slice %arg7[%scan3A_29, %dma_wait3A] : memref<80x128xi32, #tpu.memory_space<vmem>> -> memref<1x128xi32, #tpu.memory_space<vmem>>
        %dma_wait3A_37 = tpu.memref_squeeze %dma_wait3A_36 : memref<1x128xi32, #tpu.memory_space<vmem>> -> memref<128xi32, #tpu.memory_space<vmem>>
        %dma_wait3A_38 = arith.constant 0 : i32
        %dma_wait3A_39 = arith.constant 0 : i32
        %dma_wait3A_40 = tpu.memref_slice %arg9[%dma_wait3A_38, %dma_wait3A_39] : memref<10240x128xf32, #tpu.memory_space<vmem_shared>> -> memref<10240x128xf32, #tpu.memory_space<vmem_shared>>
        tpu.wait_indirect_dma semaphore(%run_scoped3A_30 : memref<!tpu.dma_semaphore, #tpu.memory_space<semaphore_mem>>) src(%arg8 : memref<128x128xf32, #tpu.memory_space<vmem>>) dst(%dma_wait3A_40 : memref<10240x128xf32, #tpu.memory_space<vmem_shared>>)
        tpu.yield
      }) : () -> ()
    }
    %scan3A_26 = arith.constant 80 : i32
    %barrier3A_27 = arith.constant 0 : index
    tpu.barrier barrier_id(%barrier3A_27)
    %run_scoped3A_28 = arith.constant 1 : i32
    "tpu.region"() ({
      %run_scoped3A_29 = tpu.sem_alloc : memref<!tpu.dma_semaphore, #tpu.memory_space<semaphore_mem>>
      %dma_start3A = arith.constant 0 : i32
      %dma_start3A_30 = tpu.memref_slice %arg5[%arg0, %run_scoped3A_28, %mul3A_2, %dma_start3A] : memref<2x2x10240x128xf32, #tpu.memory_space<hbm>> -> memref<1x1x640x128xf32, #tpu.memory_space<hbm>>
      %dma_start3A_31 = tpu.memref_squeeze %dma_start3A_30 : memref<1x1x640x128xf32, #tpu.memory_space<hbm>> -> memref<640x128xf32, #tpu.memory_space<hbm>>
      %dma_start3A_32 = arith.constant 0 : i32
      %dma_start3A_33 = tpu.memref_slice %arg9[%mul3A_2, %dma_start3A_32] : memref<10240x128xf32, #tpu.memory_space<vmem_shared>> -> memref<640x128xf32, #tpu.memory_space<vmem_shared>>
      tpu.enqueue_dma source(%dma_start3A_33 : memref<640x128xf32, #tpu.memory_space<vmem_shared>>) target(%dma_start3A_31 : memref<640x128xf32, #tpu.memory_space<hbm>>) target_semaphore(%run_scoped3A_29 : memref<!tpu.dma_semaphore, #tpu.memory_space<semaphore_mem>>)
      %dma_wait3A = arith.constant 0 : i32
      %dma_wait3A_34 = tpu.memref_slice %arg5[%arg0, %run_scoped3A_28, %mul3A_2, %dma_wait3A] : memref<2x2x10240x128xf32, #tpu.memory_space<hbm>> -> memref<1x1x640x128xf32, #tpu.memory_space<hbm>>
      %dma_wait3A_35 = tpu.memref_squeeze %dma_wait3A_34 : memref<1x1x640x128xf32, #tpu.memory_space<hbm>> -> memref<640x128xf32, #tpu.memory_space<hbm>>
      %dma_wait3A_36 = arith.constant 0 : i32
      %dma_wait3A_37 = tpu.memref_slice %arg9[%mul3A_2, %dma_wait3A_36] : memref<10240x128xf32, #tpu.memory_space<vmem_shared>> -> memref<640x128xf32, #tpu.memory_space<vmem_shared>>
      tpu.wait_dma2 semaphore(%run_scoped3A_29 : memref<!tpu.dma_semaphore, #tpu.memory_space<semaphore_mem>>) src(%dma_wait3A_37 : memref<640x128xf32, #tpu.memory_space<vmem_shared>>) dst(%dma_wait3A_35 : memref<640x128xf32, #tpu.memory_space<hbm>>)
      tpu.yield
    }) : () -> ()
    return
  }
}

#map = affine_map<(d0, d1) -> (0, 0)>
#map1 = affine_map<(d0, d1) -> (0, 0, 0)>
module attributes {stable_mosaic.version = 14 : i64} {
  func.func @spmm_kernel(%arg0: i32, %arg1: i32, %arg2: memref<10240x128xf32, #tpu.memory_space<hbm>>, %arg3: memref<2560x128xi32, #tpu.memory_space<hbm>>, %arg4: memref<2560x128xi32, #tpu.memory_space<hbm>>, %arg5: memref<10240x128xf32, #tpu.memory_space<hbm>>, %arg6: memref<2x10240x128xf32, #tpu.memory_space<hbm>>, %arg7: memref<80x128xi32, #tpu.memory_space<vmem>>, %arg8: memref<80x128xi32, #tpu.memory_space<vmem>>, %arg9: memref<128x128xf32, #tpu.memory_space<vmem>>, %arg10: memref<10240x128xf32, #tpu.memory_space<vmem_shared>>, %arg11: memref<!tpu.dma_semaphore, #tpu.memory_space<semaphore_mem>>) attributes {dimension_semantics = [#tpu.dimension_semantics<core_parallel>, #tpu.dimension_semantics<subcore_parallel>], iteration_bounds = array<i64: 2, 16>, scalar_prefetch = 0 : i64, scratch_operands = 5 : i64, tpu.core_type = #tpu.core_type<sc_vector_subcore>, window_params = [{transform_indices = #map}, {transform_indices = #map}, {transform_indices = #map}, {transform_indices = #map}, {transform_indices = #map1}]} {
    %mul3A = arith.constant 16 : i32
    %mul3A_0 = arith.muli %arg0, %mul3A : i32
    %add3A = arith.addi %mul3A_0, %arg1 : i32
    %mul3A_1 = arith.constant 640 : i32
    %mul3A_2 = arith.muli %arg1, %mul3A_1 : i32
    "tpu.region"() ({
      %run_scoped3A = tpu.sem_alloc : memref<!tpu.dma_semaphore, #tpu.memory_space<semaphore_mem>>
      %dma_start3A = arith.constant 0 : i32
      %dma_start3A_13 = tpu.memref_slice %arg10[%mul3A_2, %dma_start3A] : memref<10240x128xf32, #tpu.memory_space<vmem_shared>> -> memref<640x128xf32, #tpu.memory_space<vmem_shared>>
      %dma_start3A_14 = arith.constant 0 : i32
      %dma_start3A_15 = tpu.memref_slice %arg5[%mul3A_2, %dma_start3A_14] : memref<10240x128xf32, #tpu.memory_space<hbm>> -> memref<640x128xf32, #tpu.memory_space<hbm>>
      tpu.enqueue_dma source(%dma_start3A_15 : memref<640x128xf32, #tpu.memory_space<hbm>>) target(%dma_start3A_13 : memref<640x128xf32, #tpu.memory_space<vmem_shared>>) target_semaphore(%run_scoped3A : memref<!tpu.dma_semaphore, #tpu.memory_space<semaphore_mem>>)
      %dma_wait3A = arith.constant 0 : i32
      %dma_wait3A_16 = tpu.memref_slice %arg10[%mul3A_2, %dma_wait3A] : memref<10240x128xf32, #tpu.memory_space<vmem_shared>> -> memref<640x128xf32, #tpu.memory_space<vmem_shared>>
      %dma_wait3A_17 = arith.constant 0 : i32
      %dma_wait3A_18 = tpu.memref_slice %arg5[%mul3A_2, %dma_wait3A_17] : memref<10240x128xf32, #tpu.memory_space<hbm>> -> memref<640x128xf32, #tpu.memory_space<hbm>>
      tpu.wait_dma2 semaphore(%run_scoped3A : memref<!tpu.dma_semaphore, #tpu.memory_space<semaphore_mem>>) src(%dma_wait3A_18 : memref<640x128xf32, #tpu.memory_space<hbm>>) dst(%dma_wait3A_16 : memref<640x128xf32, #tpu.memory_space<vmem_shared>>)
      tpu.yield
    }) : () -> ()
    %mul3A_3 = arith.constant 80 : i32
    %mul3A_4 = arith.muli %add3A, %mul3A_3 : i32
    "tpu.region"() ({
      %run_scoped3A = tpu.sem_alloc : memref<!tpu.dma_semaphore, #tpu.memory_space<semaphore_mem>>
      %dma_start3A = arith.constant 0 : i32
      %dma_start3A_13 = tpu.memref_slice %arg3[%mul3A_4, %dma_start3A] : memref<2560x128xi32, #tpu.memory_space<hbm>> -> memref<80x128xi32, #tpu.memory_space<hbm>>
      %dma_start3A_14 = arith.constant 0 : i32
      %dma_start3A_15 = tpu.memref_slice %arg3[%mul3A_4, %dma_start3A_14] : memref<2560x128xi32, #tpu.memory_space<hbm>> -> memref<80x128xi32, #tpu.memory_space<hbm>>
      tpu.enqueue_dma source(%dma_start3A_15 : memref<80x128xi32, #tpu.memory_space<hbm>>) target(%arg7 : memref<80x128xi32, #tpu.memory_space<vmem>>) target_semaphore(%run_scoped3A : memref<!tpu.dma_semaphore, #tpu.memory_space<semaphore_mem>>)
      %dma_wait3A = arith.constant 0 : i32
      %dma_wait3A_16 = tpu.memref_slice %arg3[%mul3A_4, %dma_wait3A] : memref<2560x128xi32, #tpu.memory_space<hbm>> -> memref<80x128xi32, #tpu.memory_space<hbm>>
      %dma_wait3A_17 = arith.constant 0 : i32
      %dma_wait3A_18 = tpu.memref_slice %arg3[%mul3A_4, %dma_wait3A_17] : memref<2560x128xi32, #tpu.memory_space<hbm>> -> memref<80x128xi32, #tpu.memory_space<hbm>>
      tpu.wait_dma2 semaphore(%run_scoped3A : memref<!tpu.dma_semaphore, #tpu.memory_space<semaphore_mem>>) src(%dma_wait3A_18 : memref<80x128xi32, #tpu.memory_space<hbm>>) dst(%arg7 : memref<80x128xi32, #tpu.memory_space<vmem>>)
      tpu.yield
    }) : () -> ()
    %mul3A_5 = arith.constant 80 : i32
    %mul3A_6 = arith.muli %add3A, %mul3A_5 : i32
    "tpu.region"() ({
      %run_scoped3A = tpu.sem_alloc : memref<!tpu.dma_semaphore, #tpu.memory_space<semaphore_mem>>
      %dma_start3A = arith.constant 0 : i32
      %dma_start3A_13 = tpu.memref_slice %arg4[%mul3A_6, %dma_start3A] : memref<2560x128xi32, #tpu.memory_space<hbm>> -> memref<80x128xi32, #tpu.memory_space<hbm>>
      %dma_start3A_14 = arith.constant 0 : i32
      %dma_start3A_15 = tpu.memref_slice %arg4[%mul3A_6, %dma_start3A_14] : memref<2560x128xi32, #tpu.memory_space<hbm>> -> memref<80x128xi32, #tpu.memory_space<hbm>>
      tpu.enqueue_dma source(%dma_start3A_15 : memref<80x128xi32, #tpu.memory_space<hbm>>) target(%arg8 : memref<80x128xi32, #tpu.memory_space<vmem>>) target_semaphore(%run_scoped3A : memref<!tpu.dma_semaphore, #tpu.memory_space<semaphore_mem>>)
      %dma_wait3A = arith.constant 0 : i32
      %dma_wait3A_16 = tpu.memref_slice %arg4[%mul3A_6, %dma_wait3A] : memref<2560x128xi32, #tpu.memory_space<hbm>> -> memref<80x128xi32, #tpu.memory_space<hbm>>
      %dma_wait3A_17 = arith.constant 0 : i32
      %dma_wait3A_18 = tpu.memref_slice %arg4[%mul3A_6, %dma_wait3A_17] : memref<2560x128xi32, #tpu.memory_space<hbm>> -> memref<80x128xi32, #tpu.memory_space<hbm>>
      tpu.wait_dma2 semaphore(%run_scoped3A : memref<!tpu.dma_semaphore, #tpu.memory_space<semaphore_mem>>) src(%dma_wait3A_18 : memref<80x128xi32, #tpu.memory_space<hbm>>) dst(%arg8 : memref<80x128xi32, #tpu.memory_space<vmem>>)
      tpu.yield
    }) : () -> ()
    %barrier3A = arith.constant 0 : index
    tpu.barrier barrier_id(%barrier3A)
    %scan3A = arith.constant 0 : i32
    %scan3A_7 = arith.constant 0 : i32
    %scan3A_8 = arith.constant 80 : i32
    %scan3A_9 = arith.addi %scan3A_7, %scan3A_8 : i32
    %scan3A_10 = arith.constant 1 : i32
    scf.for %scan3A_13 = %scan3A_7 to %scan3A_9 step %scan3A_10  : i32 {
      %dma_start3A = arith.constant 0 : i32
      %dma_start3A_14 = tpu.memref_slice %arg7[%scan3A_13, %dma_start3A] : memref<80x128xi32, #tpu.memory_space<vmem>> -> memref<1x128xi32, #tpu.memory_space<vmem>>
      %dma_start3A_15 = tpu.memref_squeeze %dma_start3A_14 : memref<1x128xi32, #tpu.memory_space<vmem>> -> memref<128xi32, #tpu.memory_space<vmem>>
      %dma_start3A_16 = arith.constant 0 : i32
      %dma_start3A_17 = arith.constant 0 : i32
      %dma_start3A_18 = tpu.memref_slice %arg2[%dma_start3A_16, %dma_start3A_17] : memref<10240x128xf32, #tpu.memory_space<hbm>> -> memref<10240x128xf32, #tpu.memory_space<hbm>>
      tpu.enqueue_indirect_dma source(%dma_start3A_18 : memref<10240x128xf32, #tpu.memory_space<hbm>>) target(%arg9 : memref<128x128xf32, #tpu.memory_space<vmem>>) offsets(%dma_start3A_15 : memref<128xi32, #tpu.memory_space<vmem>>) semaphore(%arg11 : memref<!tpu.dma_semaphore, #tpu.memory_space<semaphore_mem>>)
      %dma_wait3A = arith.constant 0 : i32
      %dma_wait3A_19 = tpu.memref_slice %arg7[%scan3A_13, %dma_wait3A] : memref<80x128xi32, #tpu.memory_space<vmem>> -> memref<1x128xi32, #tpu.memory_space<vmem>>
      %dma_wait3A_20 = tpu.memref_squeeze %dma_wait3A_19 : memref<1x128xi32, #tpu.memory_space<vmem>> -> memref<128xi32, #tpu.memory_space<vmem>>
      %dma_wait3A_21 = arith.constant 0 : i32
      %dma_wait3A_22 = arith.constant 0 : i32
      %dma_wait3A_23 = tpu.memref_slice %arg2[%dma_wait3A_21, %dma_wait3A_22] : memref<10240x128xf32, #tpu.memory_space<hbm>> -> memref<10240x128xf32, #tpu.memory_space<hbm>>
      tpu.wait_indirect_dma semaphore(%arg11 : memref<!tpu.dma_semaphore, #tpu.memory_space<semaphore_mem>>) src(%dma_wait3A_23 : memref<10240x128xf32, #tpu.memory_space<hbm>>) dst(%arg9 : memref<128x128xf32, #tpu.memory_space<vmem>>)
      "tpu.region"() ({
        %run_scoped3A = tpu.sem_alloc : memref<!tpu.dma_semaphore, #tpu.memory_space<semaphore_mem>>
        %dma_start3A_24 = arith.constant 0 : i32
        %dma_start3A_25 = tpu.memref_slice %arg8[%scan3A_13, %dma_start3A_24] : memref<80x128xi32, #tpu.memory_space<vmem>> -> memref<1x128xi32, #tpu.memory_space<vmem>>
        %dma_start3A_26 = tpu.memref_squeeze %dma_start3A_25 : memref<1x128xi32, #tpu.memory_space<vmem>> -> memref<128xi32, #tpu.memory_space<vmem>>
        %dma_start3A_27 = arith.constant 0 : i32
        %dma_start3A_28 = arith.constant 0 : i32
        %dma_start3A_29 = tpu.memref_slice %arg10[%dma_start3A_27, %dma_start3A_28] : memref<10240x128xf32, #tpu.memory_space<vmem_shared>> -> memref<10240x128xf32, #tpu.memory_space<vmem_shared>>
        tpu.enqueue_indirect_dma source(%arg9 : memref<128x128xf32, #tpu.memory_space<vmem>>) target(%dma_start3A_29 : memref<10240x128xf32, #tpu.memory_space<vmem_shared>>) offsets(%dma_start3A_26 : memref<128xi32, #tpu.memory_space<vmem>>) semaphore(%run_scoped3A : memref<!tpu.dma_semaphore, #tpu.memory_space<semaphore_mem>>) {add = true}
        %dma_wait3A_30 = arith.constant 0 : i32
        %dma_wait3A_31 = tpu.memref_slice %arg8[%scan3A_13, %dma_wait3A_30] : memref<80x128xi32, #tpu.memory_space<vmem>> -> memref<1x128xi32, #tpu.memory_space<vmem>>
        %dma_wait3A_32 = tpu.memref_squeeze %dma_wait3A_31 : memref<1x128xi32, #tpu.memory_space<vmem>> -> memref<128xi32, #tpu.memory_space<vmem>>
        %dma_wait3A_33 = arith.constant 0 : i32
        %dma_wait3A_34 = arith.constant 0 : i32
        %dma_wait3A_35 = tpu.memref_slice %arg10[%dma_wait3A_33, %dma_wait3A_34] : memref<10240x128xf32, #tpu.memory_space<vmem_shared>> -> memref<10240x128xf32, #tpu.memory_space<vmem_shared>>
        tpu.wait_indirect_dma semaphore(%run_scoped3A : memref<!tpu.dma_semaphore, #tpu.memory_space<semaphore_mem>>) src(%arg9 : memref<128x128xf32, #tpu.memory_space<vmem>>) dst(%dma_wait3A_35 : memref<10240x128xf32, #tpu.memory_space<vmem_shared>>)
        tpu.yield
      }) : () -> ()
    }
    %scan3A_11 = arith.constant 80 : i32
    %barrier3A_12 = arith.constant 0 : index
    tpu.barrier barrier_id(%barrier3A_12)
    "tpu.region"() ({
      %run_scoped3A = tpu.sem_alloc : memref<!tpu.dma_semaphore, #tpu.memory_space<semaphore_mem>>
      %dma_start3A = arith.constant 0 : i32
      %dma_start3A_13 = tpu.memref_slice %arg6[%arg0, %mul3A_2, %dma_start3A] : memref<2x10240x128xf32, #tpu.memory_space<hbm>> -> memref<1x640x128xf32, #tpu.memory_space<hbm>>
      %dma_start3A_14 = tpu.memref_squeeze %dma_start3A_13 : memref<1x640x128xf32, #tpu.memory_space<hbm>> -> memref<640x128xf32, #tpu.memory_space<hbm>>
      %dma_start3A_15 = arith.constant 0 : i32
      %dma_start3A_16 = tpu.memref_slice %arg10[%mul3A_2, %dma_start3A_15] : memref<10240x128xf32, #tpu.memory_space<vmem_shared>> -> memref<640x128xf32, #tpu.memory_space<vmem_shared>>
      tpu.enqueue_dma source(%dma_start3A_16 : memref<640x128xf32, #tpu.memory_space<vmem_shared>>) target(%dma_start3A_14 : memref<640x128xf32, #tpu.memory_space<hbm>>) target_semaphore(%run_scoped3A : memref<!tpu.dma_semaphore, #tpu.memory_space<semaphore_mem>>)
      %dma_wait3A = arith.constant 0 : i32
      %dma_wait3A_17 = tpu.memref_slice %arg6[%arg0, %mul3A_2, %dma_wait3A] : memref<2x10240x128xf32, #tpu.memory_space<hbm>> -> memref<1x640x128xf32, #tpu.memory_space<hbm>>
      %dma_wait3A_18 = tpu.memref_squeeze %dma_wait3A_17 : memref<1x640x128xf32, #tpu.memory_space<hbm>> -> memref<640x128xf32, #tpu.memory_space<hbm>>
      %dma_wait3A_19 = arith.constant 0 : i32
      %dma_wait3A_20 = tpu.memref_slice %arg10[%mul3A_2, %dma_wait3A_19] : memref<10240x128xf32, #tpu.memory_space<vmem_shared>> -> memref<640x128xf32, #tpu.memory_space<vmem_shared>>
      tpu.wait_dma2 semaphore(%run_scoped3A : memref<!tpu.dma_semaphore, #tpu.memory_space<semaphore_mem>>) src(%dma_wait3A_20 : memref<640x128xf32, #tpu.memory_space<vmem_shared>>) dst(%dma_wait3A_18 : memref<640x128xf32, #tpu.memory_space<hbm>>)
      tpu.yield
    }) : () -> ()
    return
  }
}

#map = affine_map<(d0, d1) -> (0, 0)>
#map1 = affine_map<(d0, d1) -> (0, 0, 0)>
module attributes {stable_mosaic.version = 14 : i64} {
  func.func @spmm_kernel(%arg0: i32, %arg1: i32, %arg2: memref<10240x128xf32, #tpu.memory_space<hbm>>, %arg3: memref<2560x128xi32, #tpu.memory_space<hbm>>, %arg4: memref<2560x128xi32, #tpu.memory_space<hbm>>, %arg5: memref<10240x128xf32, #tpu.memory_space<hbm>>, %arg6: memref<2x10240x128xf32, #tpu.memory_space<hbm>>, %arg7: memref<80x128xi32, #tpu.memory_space<vmem>>, %arg8: memref<80x128xi32, #tpu.memory_space<vmem>>, %arg9: memref<128x128xf32, #tpu.memory_space<vmem>>, %arg10: memref<10240x128xf32, #tpu.memory_space<vmem_shared>>, %arg11: memref<!tpu.dma_semaphore, #tpu.memory_space<semaphore_mem>>) attributes {dimension_semantics = [#tpu.dimension_semantics<core_parallel>, #tpu.dimension_semantics<subcore_parallel>], iteration_bounds = array<i64: 2, 16>, scalar_prefetch = 0 : i64, scratch_operands = 5 : i64, tpu.core_type = #tpu.core_type<sc_vector_subcore>, window_params = [{transform_indices = #map}, {transform_indices = #map}, {transform_indices = #map}, {transform_indices = #map}, {transform_indices = #map1}]} {
    %mul3A = arith.constant 16 : i32
    %mul3A_0 = arith.muli %arg0, %mul3A : i32
    %add3A = arith.addi %mul3A_0, %arg1 : i32
    %mul3A_1 = arith.constant 640 : i32
    %mul3A_2 = arith.muli %arg1, %mul3A_1 : i32
    "tpu.region"() ({
      %run_scoped3A = tpu.sem_alloc : memref<!tpu.dma_semaphore, #tpu.memory_space<semaphore_mem>>
      %dma_start3A = arith.constant 0 : i32
      %dma_start3A_13 = tpu.memref_slice %arg10[%mul3A_2, %dma_start3A] : memref<10240x128xf32, #tpu.memory_space<vmem_shared>> -> memref<640x128xf32, #tpu.memory_space<vmem_shared>>
      %dma_start3A_14 = arith.constant 0 : i32
      %dma_start3A_15 = tpu.memref_slice %arg5[%mul3A_2, %dma_start3A_14] : memref<10240x128xf32, #tpu.memory_space<hbm>> -> memref<640x128xf32, #tpu.memory_space<hbm>>
      tpu.enqueue_dma source(%dma_start3A_15 : memref<640x128xf32, #tpu.memory_space<hbm>>) target(%dma_start3A_13 : memref<640x128xf32, #tpu.memory_space<vmem_shared>>) target_semaphore(%run_scoped3A : memref<!tpu.dma_semaphore, #tpu.memory_space<semaphore_mem>>)
      %dma_wait3A = arith.constant 0 : i32
      %dma_wait3A_16 = tpu.memref_slice %arg10[%mul3A_2, %dma_wait3A] : memref<10240x128xf32, #tpu.memory_space<vmem_shared>> -> memref<640x128xf32, #tpu.memory_space<vmem_shared>>
      %dma_wait3A_17 = arith.constant 0 : i32
      %dma_wait3A_18 = tpu.memref_slice %arg5[%mul3A_2, %dma_wait3A_17] : memref<10240x128xf32, #tpu.memory_space<hbm>> -> memref<640x128xf32, #tpu.memory_space<hbm>>
      tpu.wait_dma2 semaphore(%run_scoped3A : memref<!tpu.dma_semaphore, #tpu.memory_space<semaphore_mem>>) src(%dma_wait3A_18 : memref<640x128xf32, #tpu.memory_space<hbm>>) dst(%dma_wait3A_16 : memref<640x128xf32, #tpu.memory_space<vmem_shared>>)
      tpu.yield
    }) : () -> ()
    %mul3A_3 = arith.constant 80 : i32
    %mul3A_4 = arith.muli %add3A, %mul3A_3 : i32
    "tpu.region"() ({
      %run_scoped3A = tpu.sem_alloc : memref<!tpu.dma_semaphore, #tpu.memory_space<semaphore_mem>>
      %dma_start3A = arith.constant 0 : i32
      %dma_start3A_13 = tpu.memref_slice %arg3[%mul3A_4, %dma_start3A] : memref<2560x128xi32, #tpu.memory_space<hbm>> -> memref<80x128xi32, #tpu.memory_space<hbm>>
      %dma_start3A_14 = arith.constant 0 : i32
      %dma_start3A_15 = tpu.memref_slice %arg3[%mul3A_4, %dma_start3A_14] : memref<2560x128xi32, #tpu.memory_space<hbm>> -> memref<80x128xi32, #tpu.memory_space<hbm>>
      tpu.enqueue_dma source(%dma_start3A_15 : memref<80x128xi32, #tpu.memory_space<hbm>>) target(%arg7 : memref<80x128xi32, #tpu.memory_space<vmem>>) target_semaphore(%run_scoped3A : memref<!tpu.dma_semaphore, #tpu.memory_space<semaphore_mem>>)
      %dma_wait3A = arith.constant 0 : i32
      %dma_wait3A_16 = tpu.memref_slice %arg3[%mul3A_4, %dma_wait3A] : memref<2560x128xi32, #tpu.memory_space<hbm>> -> memref<80x128xi32, #tpu.memory_space<hbm>>
      %dma_wait3A_17 = arith.constant 0 : i32
      %dma_wait3A_18 = tpu.memref_slice %arg3[%mul3A_4, %dma_wait3A_17] : memref<2560x128xi32, #tpu.memory_space<hbm>> -> memref<80x128xi32, #tpu.memory_space<hbm>>
      tpu.wait_dma2 semaphore(%run_scoped3A : memref<!tpu.dma_semaphore, #tpu.memory_space<semaphore_mem>>) src(%dma_wait3A_18 : memref<80x128xi32, #tpu.memory_space<hbm>>) dst(%arg7 : memref<80x128xi32, #tpu.memory_space<vmem>>)
      tpu.yield
    }) : () -> ()
    %mul3A_5 = arith.constant 80 : i32
    %mul3A_6 = arith.muli %add3A, %mul3A_5 : i32
    "tpu.region"() ({
      %run_scoped3A = tpu.sem_alloc : memref<!tpu.dma_semaphore, #tpu.memory_space<semaphore_mem>>
      %dma_start3A = arith.constant 0 : i32
      %dma_start3A_13 = tpu.memref_slice %arg4[%mul3A_6, %dma_start3A] : memref<2560x128xi32, #tpu.memory_space<hbm>> -> memref<80x128xi32, #tpu.memory_space<hbm>>
      %dma_start3A_14 = arith.constant 0 : i32
      %dma_start3A_15 = tpu.memref_slice %arg4[%mul3A_6, %dma_start3A_14] : memref<2560x128xi32, #tpu.memory_space<hbm>> -> memref<80x128xi32, #tpu.memory_space<hbm>>
      tpu.enqueue_dma source(%dma_start3A_15 : memref<80x128xi32, #tpu.memory_space<hbm>>) target(%arg8 : memref<80x128xi32, #tpu.memory_space<vmem>>) target_semaphore(%run_scoped3A : memref<!tpu.dma_semaphore, #tpu.memory_space<semaphore_mem>>)
      %dma_wait3A = arith.constant 0 : i32
      %dma_wait3A_16 = tpu.memref_slice %arg4[%mul3A_6, %dma_wait3A] : memref<2560x128xi32, #tpu.memory_space<hbm>> -> memref<80x128xi32, #tpu.memory_space<hbm>>
      %dma_wait3A_17 = arith.constant 0 : i32
      %dma_wait3A_18 = tpu.memref_slice %arg4[%mul3A_6, %dma_wait3A_17] : memref<2560x128xi32, #tpu.memory_space<hbm>> -> memref<80x128xi32, #tpu.memory_space<hbm>>
      tpu.wait_dma2 semaphore(%run_scoped3A : memref<!tpu.dma_semaphore, #tpu.memory_space<semaphore_mem>>) src(%dma_wait3A_18 : memref<80x128xi32, #tpu.memory_space<hbm>>) dst(%arg8 : memref<80x128xi32, #tpu.memory_space<vmem>>)
      tpu.yield
    }) : () -> ()
    %barrier3A = arith.constant 0 : index
    tpu.barrier barrier_id(%barrier3A)
    %scan3A = arith.constant 0 : i32
    %scan3A_7 = arith.constant 0 : i32
    %scan3A_8 = arith.constant 80 : i32
    %scan3A_9 = arith.addi %scan3A_7, %scan3A_8 : i32
    %scan3A_10 = arith.constant 1 : i32
    scf.for %scan3A_13 = %scan3A_7 to %scan3A_9 step %scan3A_10  : i32 {
      %dma_start3A = arith.constant 0 : i32
      %dma_start3A_14 = tpu.memref_slice %arg7[%scan3A_13, %dma_start3A] : memref<80x128xi32, #tpu.memory_space<vmem>> -> memref<1x128xi32, #tpu.memory_space<vmem>>
      %dma_start3A_15 = tpu.memref_squeeze %dma_start3A_14 : memref<1x128xi32, #tpu.memory_space<vmem>> -> memref<128xi32, #tpu.memory_space<vmem>>
      %dma_start3A_16 = arith.constant 0 : i32
      %dma_start3A_17 = arith.constant 0 : i32
      %dma_start3A_18 = tpu.memref_slice %arg2[%dma_start3A_16, %dma_start3A_17] : memref<10240x128xf32, #tpu.memory_space<hbm>> -> memref<10240x128xf32, #tpu.memory_space<hbm>>
      tpu.enqueue_indirect_dma source(%dma_start3A_18 : memref<10240x128xf32, #tpu.memory_space<hbm>>) target(%arg9 : memref<128x128xf32, #tpu.memory_space<vmem>>) offsets(%dma_start3A_15 : memref<128xi32, #tpu.memory_space<vmem>>) semaphore(%arg11 : memref<!tpu.dma_semaphore, #tpu.memory_space<semaphore_mem>>)
      %dma_wait3A = arith.constant 0 : i32
      %dma_wait3A_19 = tpu.memref_slice %arg7[%scan3A_13, %dma_wait3A] : memref<80x128xi32, #tpu.memory_space<vmem>> -> memref<1x128xi32, #tpu.memory_space<vmem>>
      %dma_wait3A_20 = tpu.memref_squeeze %dma_wait3A_19 : memref<1x128xi32, #tpu.memory_space<vmem>> -> memref<128xi32, #tpu.memory_space<vmem>>
      %dma_wait3A_21 = arith.constant 0 : i32
      %dma_wait3A_22 = arith.constant 0 : i32
      %dma_wait3A_23 = tpu.memref_slice %arg2[%dma_wait3A_21, %dma_wait3A_22] : memref<10240x128xf32, #tpu.memory_space<hbm>> -> memref<10240x128xf32, #tpu.memory_space<hbm>>
      tpu.wait_indirect_dma semaphore(%arg11 : memref<!tpu.dma_semaphore, #tpu.memory_space<semaphore_mem>>) src(%dma_wait3A_23 : memref<10240x128xf32, #tpu.memory_space<hbm>>) dst(%arg9 : memref<128x128xf32, #tpu.memory_space<vmem>>)
      "tpu.region"() ({
        %run_scoped3A = tpu.sem_alloc : memref<!tpu.dma_semaphore, #tpu.memory_space<semaphore_mem>>
        %dma_start3A_24 = arith.constant 0 : i32
        %dma_start3A_25 = tpu.memref_slice %arg8[%scan3A_13, %dma_start3A_24] : memref<80x128xi32, #tpu.memory_space<vmem>> -> memref<1x128xi32, #tpu.memory_space<vmem>>
        %dma_start3A_26 = tpu.memref_squeeze %dma_start3A_25 : memref<1x128xi32, #tpu.memory_space<vmem>> -> memref<128xi32, #tpu.memory_space<vmem>>
        %dma_start3A_27 = arith.constant 0 : i32
        %dma_start3A_28 = arith.constant 0 : i32
        %dma_start3A_29 = tpu.memref_slice %arg10[%dma_start3A_27, %dma_start3A_28] : memref<10240x128xf32, #tpu.memory_space<vmem_shared>> -> memref<10240x128xf32, #tpu.memory_space<vmem_shared>>
        tpu.enqueue_indirect_dma source(%arg9 : memref<128x128xf32, #tpu.memory_space<vmem>>) target(%dma_start3A_29 : memref<10240x128xf32, #tpu.memory_space<vmem_shared>>) offsets(%dma_start3A_26 : memref<128xi32, #tpu.memory_space<vmem>>) semaphore(%run_scoped3A : memref<!tpu.dma_semaphore, #tpu.memory_space<semaphore_mem>>) {add = true}
        %dma_wait3A_30 = arith.constant 0 : i32
        %dma_wait3A_31 = tpu.memref_slice %arg8[%scan3A_13, %dma_wait3A_30] : memref<80x128xi32, #tpu.memory_space<vmem>> -> memref<1x128xi32, #tpu.memory_space<vmem>>
        %dma_wait3A_32 = tpu.memref_squeeze %dma_wait3A_31 : memref<1x128xi32, #tpu.memory_space<vmem>> -> memref<128xi32, #tpu.memory_space<vmem>>
        %dma_wait3A_33 = arith.constant 0 : i32
        %dma_wait3A_34 = arith.constant 0 : i32
        %dma_wait3A_35 = tpu.memref_slice %arg10[%dma_wait3A_33, %dma_wait3A_34] : memref<10240x128xf32, #tpu.memory_space<vmem_shared>> -> memref<10240x128xf32, #tpu.memory_space<vmem_shared>>
        tpu.wait_indirect_dma semaphore(%run_scoped3A : memref<!tpu.dma_semaphore, #tpu.memory_space<semaphore_mem>>) src(%arg9 : memref<128x128xf32, #tpu.memory_space<vmem>>) dst(%dma_wait3A_35 : memref<10240x128xf32, #tpu.memory_space<vmem_shared>>)
        tpu.yield
      }) : () -> ()
    }
    %scan3A_11 = arith.constant 80 : i32
    %barrier3A_12 = arith.constant 0 : index
    tpu.barrier barrier_id(%barrier3A_12)
    "tpu.region"() ({
      %run_scoped3A = tpu.sem_alloc : memref<!tpu.dma_semaphore, #tpu.memory_space<semaphore_mem>>
      %dma_start3A = arith.constant 0 : i32
      %dma_start3A_13 = tpu.memref_slice %arg6[%arg0, %mul3A_2, %dma_start3A] : memref<2x10240x128xf32, #tpu.memory_space<hbm>> -> memref<1x640x128xf32, #tpu.memory_space<hbm>>
      %dma_start3A_14 = tpu.memref_squeeze %dma_start3A_13 : memref<1x640x128xf32, #tpu.memory_space<hbm>> -> memref<640x128xf32, #tpu.memory_space<hbm>>
      %dma_start3A_15 = arith.constant 0 : i32
      %dma_start3A_16 = tpu.memref_slice %arg10[%mul3A_2, %dma_start3A_15] : memref<10240x128xf32, #tpu.memory_space<vmem_shared>> -> memref<640x128xf32, #tpu.memory_space<vmem_shared>>
      tpu.enqueue_dma source(%dma_start3A_16 : memref<640x128xf32, #tpu.memory_space<vmem_shared>>) target(%dma_start3A_14 : memref<640x128xf32, #tpu.memory_space<hbm>>) target_semaphore(%run_scoped3A : memref<!tpu.dma_semaphore, #tpu.memory_space<semaphore_mem>>)
      %dma_wait3A = arith.constant 0 : i32
      %dma_wait3A_17 = tpu.memref_slice %arg6[%arg0, %mul3A_2, %dma_wait3A] : memref<2x10240x128xf32, #tpu.memory_space<hbm>> -> memref<1x640x128xf32, #tpu.memory_space<hbm>>
      %dma_wait3A_18 = tpu.memref_squeeze %dma_wait3A_17 : memref<1x640x128xf32, #tpu.memory_space<hbm>> -> memref<640x128xf32, #tpu.memory_space<hbm>>
      %dma_wait3A_19 = arith.constant 0 : i32
      %dma_wait3A_20 = tpu.memref_slice %arg10[%mul3A_2, %dma_wait3A_19] : memref<10240x128xf32, #tpu.memory_space<vmem_shared>> -> memref<640x128xf32, #tpu.memory_space<vmem_shared>>
      tpu.wait_dma2 semaphore(%run_scoped3A : memref<!tpu.dma_semaphore, #tpu.memory_space<semaphore_mem>>) src(%dma_wait3A_20 : memref<640x128xf32, #tpu.memory_space<vmem_shared>>) dst(%dma_wait3A_18 : memref<640x128xf32, #tpu.memory_space<hbm>>)
      tpu.yield
    }) : () -> ()
    return
  }
}

#map = affine_map<(d0, d1) -> (0, 0)>
#map1 = affine_map<(d0, d1) -> (0, 0, 0)>
module attributes {stable_mosaic.version = 14 : i64} {
  func.func @spmm_kernel(%arg0: i32, %arg1: i32, %arg2: memref<10240x128xf32, #tpu.memory_space<hbm>>, %arg3: memref<2560x128xi32, #tpu.memory_space<hbm>>, %arg4: memref<2560x128xi32, #tpu.memory_space<hbm>>, %arg5: memref<10240x128xf32, #tpu.memory_space<hbm>>, %arg6: memref<2x10240x128xf32, #tpu.memory_space<hbm>>, %arg7: memref<80x128xi32, #tpu.memory_space<vmem>>, %arg8: memref<80x128xi32, #tpu.memory_space<vmem>>, %arg9: memref<128x128xf32, #tpu.memory_space<vmem>>, %arg10: memref<10240x128xf32, #tpu.memory_space<vmem_shared>>, %arg11: memref<!tpu.dma_semaphore, #tpu.memory_space<semaphore_mem>>) attributes {dimension_semantics = [#tpu.dimension_semantics<core_parallel>, #tpu.dimension_semantics<subcore_parallel>], iteration_bounds = array<i64: 2, 16>, scalar_prefetch = 0 : i64, scratch_operands = 5 : i64, tpu.core_type = #tpu.core_type<sc_vector_subcore>, window_params = [{transform_indices = #map}, {transform_indices = #map}, {transform_indices = #map}, {transform_indices = #map}, {transform_indices = #map1}]} {
    %mul3A = arith.constant 16 : i32
    %mul3A_0 = arith.muli %arg0, %mul3A : i32
    %add3A = arith.addi %mul3A_0, %arg1 : i32
    %mul3A_1 = arith.constant 640 : i32
    %mul3A_2 = arith.muli %arg1, %mul3A_1 : i32
    "tpu.region"() ({
      %run_scoped3A = tpu.sem_alloc : memref<!tpu.dma_semaphore, #tpu.memory_space<semaphore_mem>>
      %dma_start3A = arith.constant 0 : i32
      %dma_start3A_13 = tpu.memref_slice %arg10[%mul3A_2, %dma_start3A] : memref<10240x128xf32, #tpu.memory_space<vmem_shared>> -> memref<640x128xf32, #tpu.memory_space<vmem_shared>>
      %dma_start3A_14 = arith.constant 0 : i32
      %dma_start3A_15 = tpu.memref_slice %arg5[%mul3A_2, %dma_start3A_14] : memref<10240x128xf32, #tpu.memory_space<hbm>> -> memref<640x128xf32, #tpu.memory_space<hbm>>
      tpu.enqueue_dma source(%dma_start3A_15 : memref<640x128xf32, #tpu.memory_space<hbm>>) target(%dma_start3A_13 : memref<640x128xf32, #tpu.memory_space<vmem_shared>>) target_semaphore(%run_scoped3A : memref<!tpu.dma_semaphore, #tpu.memory_space<semaphore_mem>>)
      %dma_wait3A = arith.constant 0 : i32
      %dma_wait3A_16 = tpu.memref_slice %arg10[%mul3A_2, %dma_wait3A] : memref<10240x128xf32, #tpu.memory_space<vmem_shared>> -> memref<640x128xf32, #tpu.memory_space<vmem_shared>>
      %dma_wait3A_17 = arith.constant 0 : i32
      %dma_wait3A_18 = tpu.memref_slice %arg5[%mul3A_2, %dma_wait3A_17] : memref<10240x128xf32, #tpu.memory_space<hbm>> -> memref<640x128xf32, #tpu.memory_space<hbm>>
      tpu.wait_dma2 semaphore(%run_scoped3A : memref<!tpu.dma_semaphore, #tpu.memory_space<semaphore_mem>>) src(%dma_wait3A_18 : memref<640x128xf32, #tpu.memory_space<hbm>>) dst(%dma_wait3A_16 : memref<640x128xf32, #tpu.memory_space<vmem_shared>>)
      tpu.yield
    }) : () -> ()
    %mul3A_3 = arith.constant 80 : i32
    %mul3A_4 = arith.muli %add3A, %mul3A_3 : i32
    "tpu.region"() ({
      %run_scoped3A = tpu.sem_alloc : memref<!tpu.dma_semaphore, #tpu.memory_space<semaphore_mem>>
      %dma_start3A = arith.constant 0 : i32
      %dma_start3A_13 = tpu.memref_slice %arg3[%mul3A_4, %dma_start3A] : memref<2560x128xi32, #tpu.memory_space<hbm>> -> memref<80x128xi32, #tpu.memory_space<hbm>>
      %dma_start3A_14 = arith.constant 0 : i32
      %dma_start3A_15 = tpu.memref_slice %arg3[%mul3A_4, %dma_start3A_14] : memref<2560x128xi32, #tpu.memory_space<hbm>> -> memref<80x128xi32, #tpu.memory_space<hbm>>
      tpu.enqueue_dma source(%dma_start3A_15 : memref<80x128xi32, #tpu.memory_space<hbm>>) target(%arg7 : memref<80x128xi32, #tpu.memory_space<vmem>>) target_semaphore(%run_scoped3A : memref<!tpu.dma_semaphore, #tpu.memory_space<semaphore_mem>>)
      %dma_wait3A = arith.constant 0 : i32
      %dma_wait3A_16 = tpu.memref_slice %arg3[%mul3A_4, %dma_wait3A] : memref<2560x128xi32, #tpu.memory_space<hbm>> -> memref<80x128xi32, #tpu.memory_space<hbm>>
      %dma_wait3A_17 = arith.constant 0 : i32
      %dma_wait3A_18 = tpu.memref_slice %arg3[%mul3A_4, %dma_wait3A_17] : memref<2560x128xi32, #tpu.memory_space<hbm>> -> memref<80x128xi32, #tpu.memory_space<hbm>>
      tpu.wait_dma2 semaphore(%run_scoped3A : memref<!tpu.dma_semaphore, #tpu.memory_space<semaphore_mem>>) src(%dma_wait3A_18 : memref<80x128xi32, #tpu.memory_space<hbm>>) dst(%arg7 : memref<80x128xi32, #tpu.memory_space<vmem>>)
      tpu.yield
    }) : () -> ()
    %mul3A_5 = arith.constant 80 : i32
    %mul3A_6 = arith.muli %add3A, %mul3A_5 : i32
    "tpu.region"() ({
      %run_scoped3A = tpu.sem_alloc : memref<!tpu.dma_semaphore, #tpu.memory_space<semaphore_mem>>
      %dma_start3A = arith.constant 0 : i32
      %dma_start3A_13 = tpu.memref_slice %arg4[%mul3A_6, %dma_start3A] : memref<2560x128xi32, #tpu.memory_space<hbm>> -> memref<80x128xi32, #tpu.memory_space<hbm>>
      %dma_start3A_14 = arith.constant 0 : i32
      %dma_start3A_15 = tpu.memref_slice %arg4[%mul3A_6, %dma_start3A_14] : memref<2560x128xi32, #tpu.memory_space<hbm>> -> memref<80x128xi32, #tpu.memory_space<hbm>>
      tpu.enqueue_dma source(%dma_start3A_15 : memref<80x128xi32, #tpu.memory_space<hbm>>) target(%arg8 : memref<80x128xi32, #tpu.memory_space<vmem>>) target_semaphore(%run_scoped3A : memref<!tpu.dma_semaphore, #tpu.memory_space<semaphore_mem>>)
      %dma_wait3A = arith.constant 0 : i32
      %dma_wait3A_16 = tpu.memref_slice %arg4[%mul3A_6, %dma_wait3A] : memref<2560x128xi32, #tpu.memory_space<hbm>> -> memref<80x128xi32, #tpu.memory_space<hbm>>
      %dma_wait3A_17 = arith.constant 0 : i32
      %dma_wait3A_18 = tpu.memref_slice %arg4[%mul3A_6, %dma_wait3A_17] : memref<2560x128xi32, #tpu.memory_space<hbm>> -> memref<80x128xi32, #tpu.memory_space<hbm>>
      tpu.wait_dma2 semaphore(%run_scoped3A : memref<!tpu.dma_semaphore, #tpu.memory_space<semaphore_mem>>) src(%dma_wait3A_18 : memref<80x128xi32, #tpu.memory_space<hbm>>) dst(%arg8 : memref<80x128xi32, #tpu.memory_space<vmem>>)
      tpu.yield
    }) : () -> ()
    %barrier3A = arith.constant 0 : index
    tpu.barrier barrier_id(%barrier3A)
    %scan3A = arith.constant 0 : i32
    %scan3A_7 = arith.constant 0 : i32
    %scan3A_8 = arith.constant 80 : i32
    %scan3A_9 = arith.addi %scan3A_7, %scan3A_8 : i32
    %scan3A_10 = arith.constant 1 : i32
    scf.for %scan3A_13 = %scan3A_7 to %scan3A_9 step %scan3A_10  : i32 {
      %dma_start3A = arith.constant 0 : i32
      %dma_start3A_14 = tpu.memref_slice %arg7[%scan3A_13, %dma_start3A] : memref<80x128xi32, #tpu.memory_space<vmem>> -> memref<1x128xi32, #tpu.memory_space<vmem>>
      %dma_start3A_15 = tpu.memref_squeeze %dma_start3A_14 : memref<1x128xi32, #tpu.memory_space<vmem>> -> memref<128xi32, #tpu.memory_space<vmem>>
      %dma_start3A_16 = arith.constant 0 : i32
      %dma_start3A_17 = arith.constant 0 : i32
      %dma_start3A_18 = tpu.memref_slice %arg2[%dma_start3A_16, %dma_start3A_17] : memref<10240x128xf32, #tpu.memory_space<hbm>> -> memref<10240x128xf32, #tpu.memory_space<hbm>>
      tpu.enqueue_indirect_dma source(%dma_start3A_18 : memref<10240x128xf32, #tpu.memory_space<hbm>>) target(%arg9 : memref<128x128xf32, #tpu.memory_space<vmem>>) offsets(%dma_start3A_15 : memref<128xi32, #tpu.memory_space<vmem>>) semaphore(%arg11 : memref<!tpu.dma_semaphore, #tpu.memory_space<semaphore_mem>>)
      %dma_wait3A = arith.constant 0 : i32
      %dma_wait3A_19 = tpu.memref_slice %arg7[%scan3A_13, %dma_wait3A] : memref<80x128xi32, #tpu.memory_space<vmem>> -> memref<1x128xi32, #tpu.memory_space<vmem>>
      %dma_wait3A_20 = tpu.memref_squeeze %dma_wait3A_19 : memref<1x128xi32, #tpu.memory_space<vmem>> -> memref<128xi32, #tpu.memory_space<vmem>>
      %dma_wait3A_21 = arith.constant 0 : i32
      %dma_wait3A_22 = arith.constant 0 : i32
      %dma_wait3A_23 = tpu.memref_slice %arg2[%dma_wait3A_21, %dma_wait3A_22] : memref<10240x128xf32, #tpu.memory_space<hbm>> -> memref<10240x128xf32, #tpu.memory_space<hbm>>
      tpu.wait_indirect_dma semaphore(%arg11 : memref<!tpu.dma_semaphore, #tpu.memory_space<semaphore_mem>>) src(%dma_wait3A_23 : memref<10240x128xf32, #tpu.memory_space<hbm>>) dst(%arg9 : memref<128x128xf32, #tpu.memory_space<vmem>>)
      "tpu.region"() ({
        %run_scoped3A = tpu.sem_alloc : memref<!tpu.dma_semaphore, #tpu.memory_space<semaphore_mem>>
        %dma_start3A_24 = arith.constant 0 : i32
        %dma_start3A_25 = tpu.memref_slice %arg8[%scan3A_13, %dma_start3A_24] : memref<80x128xi32, #tpu.memory_space<vmem>> -> memref<1x128xi32, #tpu.memory_space<vmem>>
        %dma_start3A_26 = tpu.memref_squeeze %dma_start3A_25 : memref<1x128xi32, #tpu.memory_space<vmem>> -> memref<128xi32, #tpu.memory_space<vmem>>
        %dma_start3A_27 = arith.constant 0 : i32
        %dma_start3A_28 = arith.constant 0 : i32
        %dma_start3A_29 = tpu.memref_slice %arg10[%dma_start3A_27, %dma_start3A_28] : memref<10240x128xf32, #tpu.memory_space<vmem_shared>> -> memref<10240x128xf32, #tpu.memory_space<vmem_shared>>
        tpu.enqueue_indirect_dma source(%arg9 : memref<128x128xf32, #tpu.memory_space<vmem>>) target(%dma_start3A_29 : memref<10240x128xf32, #tpu.memory_space<vmem_shared>>) offsets(%dma_start3A_26 : memref<128xi32, #tpu.memory_space<vmem>>) semaphore(%run_scoped3A : memref<!tpu.dma_semaphore, #tpu.memory_space<semaphore_mem>>) {add = true}
        %dma_wait3A_30 = arith.constant 0 : i32
        %dma_wait3A_31 = tpu.memref_slice %arg8[%scan3A_13, %dma_wait3A_30] : memref<80x128xi32, #tpu.memory_space<vmem>> -> memref<1x128xi32, #tpu.memory_space<vmem>>
        %dma_wait3A_32 = tpu.memref_squeeze %dma_wait3A_31 : memref<1x128xi32, #tpu.memory_space<vmem>> -> memref<128xi32, #tpu.memory_space<vmem>>
        %dma_wait3A_33 = arith.constant 0 : i32
        %dma_wait3A_34 = arith.constant 0 : i32
        %dma_wait3A_35 = tpu.memref_slice %arg10[%dma_wait3A_33, %dma_wait3A_34] : memref<10240x128xf32, #tpu.memory_space<vmem_shared>> -> memref<10240x128xf32, #tpu.memory_space<vmem_shared>>
        tpu.wait_indirect_dma semaphore(%run_scoped3A : memref<!tpu.dma_semaphore, #tpu.memory_space<semaphore_mem>>) src(%arg9 : memref<128x128xf32, #tpu.memory_space<vmem>>) dst(%dma_wait3A_35 : memref<10240x128xf32, #tpu.memory_space<vmem_shared>>)
        tpu.yield
      }) : () -> ()
    }
    %scan3A_11 = arith.constant 80 : i32
    %barrier3A_12 = arith.constant 0 : index
    tpu.barrier barrier_id(%barrier3A_12)
    "tpu.region"() ({
      %run_scoped3A = tpu.sem_alloc : memref<!tpu.dma_semaphore, #tpu.memory_space<semaphore_mem>>
      %dma_start3A = arith.constant 0 : i32
      %dma_start3A_13 = tpu.memref_slice %arg6[%arg0, %mul3A_2, %dma_start3A] : memref<2x10240x128xf32, #tpu.memory_space<hbm>> -> memref<1x640x128xf32, #tpu.memory_space<hbm>>
      %dma_start3A_14 = tpu.memref_squeeze %dma_start3A_13 : memref<1x640x128xf32, #tpu.memory_space<hbm>> -> memref<640x128xf32, #tpu.memory_space<hbm>>
      %dma_start3A_15 = arith.constant 0 : i32
      %dma_start3A_16 = tpu.memref_slice %arg10[%mul3A_2, %dma_start3A_15] : memref<10240x128xf32, #tpu.memory_space<vmem_shared>> -> memref<640x128xf32, #tpu.memory_space<vmem_shared>>
      tpu.enqueue_dma source(%dma_start3A_16 : memref<640x128xf32, #tpu.memory_space<vmem_shared>>) target(%dma_start3A_14 : memref<640x128xf32, #tpu.memory_space<hbm>>) target_semaphore(%run_scoped3A : memref<!tpu.dma_semaphore, #tpu.memory_space<semaphore_mem>>)
      %dma_wait3A = arith.constant 0 : i32
      %dma_wait3A_17 = tpu.memref_slice %arg6[%arg0, %mul3A_2, %dma_wait3A] : memref<2x10240x128xf32, #tpu.memory_space<hbm>> -> memref<1x640x128xf32, #tpu.memory_space<hbm>>
      %dma_wait3A_18 = tpu.memref_squeeze %dma_wait3A_17 : memref<1x640x128xf32, #tpu.memory_space<hbm>> -> memref<640x128xf32, #tpu.memory_space<hbm>>
      %dma_wait3A_19 = arith.constant 0 : i32
      %dma_wait3A_20 = tpu.memref_slice %arg10[%mul3A_2, %dma_wait3A_19] : memref<10240x128xf32, #tpu.memory_space<vmem_shared>> -> memref<640x128xf32, #tpu.memory_space<vmem_shared>>
      tpu.wait_dma2 semaphore(%run_scoped3A : memref<!tpu.dma_semaphore, #tpu.memory_space<semaphore_mem>>) src(%dma_wait3A_20 : memref<640x128xf32, #tpu.memory_space<vmem_shared>>) dst(%dma_wait3A_18 : memref<640x128xf32, #tpu.memory_space<hbm>>)
      tpu.yield
    }) : () -> ()
    return
  }
}

module attributes {stable_mosaic.version = 14 : i64} {
  func.func @body(%arg0: i32, %arg1: memref<1024x80xf32, #tpu.memory_space<vmem>>, %arg2: memref<80x128xf32, #tpu.memory_space<vmem>>, %arg3: memref<4x1024x128xf32, #tpu.memory_space<vmem>>, %arg4: memref<1024x128xf32, #tpu.memory_space<vmem>>, %arg5: memref<1024x128xf32, #tpu.memory_space<vmem>>, %arg6: memref<1024x128xf32, #tpu.memory_space<vmem>>, %arg7: memref<1024x128xf32, #tpu.memory_space<vmem>>) attributes {dimension_semantics = [#tpu.dimension_semantics<arbitrary>], iteration_bounds = array<i64: 10>, scalar_prefetch = 0 : i64, scratch_operands = 0 : i64, tpu.core_type = #tpu.core_type<tc>, window_params = [{transform_indices = @transform_0, window_bounds = array<i64: 1024, 80>}, {pipeline_mode = #tpu.pipeline_mode<synchronous>, transform_indices = @transform_1, window_bounds = array<i64: 80, 128>}, {transform_indices = @transform_2, window_bounds = array<i64: 4, 1024, 128>}, {transform_indices = @transform_3, window_bounds = array<i64: 1024, 128>}, {transform_indices = @transform_4, window_bounds = array<i64: 1024, 128>}, {transform_indices = @transform_5, window_bounds = array<i64: 1024, 128>}, {transform_indices = @transform_6, window_bounds = array<i64: 1024, 128>}]} {
    %get3A = arith.constant 0 : index
    %get3A_0 = arith.constant 0 : index
    %get3A_1 = vector.load %arg1[%get3A, %get3A_0] : memref<1024x80xf32, #tpu.memory_space<vmem>>, vector<1024x80xf32>
    %get3A_2 = arith.constant 0 : index
    %get3A_3 = arith.constant 0 : index
    %get3A_4 = vector.load %arg2[%get3A_2, %get3A_3] : memref<80x128xf32, #tpu.memory_space<vmem>>, vector<80x128xf32>
    %dot_general3A = arith.constant dense<0.000000e+00> : vector<1024x128xf32>
    %dot_general3A_5 = tpu.matmul %get3A_1, %get3A_4, %dot_general3A {dimension_numbers = #tpu.dot_dimension_numbers<[1], [0], [0], [1], [0, 0, 1, 1], [], []>, transpose_lhs_hint = false} : vector<1024x80xf32>, vector<80x128xf32>, vector<1024x128xf32> -> vector<1024x128xf32>
    %get3A_6 = arith.constant 0 : index
    %get3A_7 = arith.constant 0 : index
    %get3A_8 = arith.constant 0 : index
    %get3A_9 = vector.load %arg3[%get3A_6, %get3A_7, %get3A_8] : memref<4x1024x128xf32, #tpu.memory_space<vmem>>, vector<4x1024x128xf32>
    %slice3A = vector.extract_strided_slice %get3A_9 {offsets = [0, 0, 0], sizes = [1, 1024, 128], strides = [1, 1, 1]} : vector<4x1024x128xf32> to vector<1x1024x128xf32>
    %squeeze3A = vector.shape_cast %slice3A : vector<1x1024x128xf32> to vector<1024x128xf32>
    %slice3A_10 = vector.extract_strided_slice %get3A_9 {offsets = [2, 0, 0], sizes = [1, 1024, 128], strides = [1, 1, 1]} : vector<4x1024x128xf32> to vector<1x1024x128xf32>
    %squeeze3A_11 = vector.shape_cast %slice3A_10 : vector<1x1024x128xf32> to vector<1024x128xf32>
    %add3A = arith.addf %squeeze3A, %squeeze3A_11 : vector<1024x128xf32>
    %slice3A_12 = vector.extract_strided_slice %get3A_9 {offsets = [1, 0, 0], sizes = [1, 1024, 128], strides = [1, 1, 1]} : vector<4x1024x128xf32> to vector<1x1024x128xf32>
    %squeeze3A_13 = vector.shape_cast %slice3A_12 : vector<1x1024x128xf32> to vector<1024x128xf32>
    %slice3A_14 = vector.extract_strided_slice %get3A_9 {offsets = [3, 0, 0], sizes = [1, 1024, 128], strides = [1, 1, 1]} : vector<4x1024x128xf32> to vector<1x1024x128xf32>
    %squeeze3A_15 = vector.shape_cast %slice3A_14 : vector<1x1024x128xf32> to vector<1024x128xf32>
    %add3A_16 = arith.addf %squeeze3A_13, %squeeze3A_15 : vector<1024x128xf32>
    %max3A = arith.constant 1.000000e+00 : f32
    %max3A_17 = vector.broadcast %max3A : f32 to vector<1024x128xf32>
    %max3A_18 = arith.maximumf %add3A, %max3A_17 : vector<1024x128xf32>
    %rsqrt3A = math.rsqrt %max3A_18 : vector<1024x128xf32>
    %max3A_19 = arith.constant 1.000000e+00 : f32
    %max3A_20 = vector.broadcast %max3A_19 : f32 to vector<1024x128xf32>
    %max3A_21 = arith.maximumf %add3A_16, %max3A_20 : vector<1024x128xf32>
    %rsqrt3A_22 = math.rsqrt %max3A_21 : vector<1024x128xf32>
    %swap3A = arith.constant 0 : index
    %swap3A_23 = arith.constant 0 : index
    %swap3A_24 = vector.load %arg4[%swap3A, %swap3A_23] : memref<1024x128xf32, #tpu.memory_space<vmem>>, vector<1024x128xf32>
    tpu.vector_store %arg4[%swap3A, %swap3A_23], %dot_general3A_5 {strides = array<i32>} : memref<1024x128xf32, #tpu.memory_space<vmem>>, vector<1024x128xf32>,
    %mul3A = arith.mulf %dot_general3A_5, %rsqrt3A : vector<1024x128xf32>
    %swap3A_25 = arith.constant 0 : index
    %swap3A_26 = arith.constant 0 : index
    %swap3A_27 = vector.load %arg5[%swap3A_25, %swap3A_26] : memref<1024x128xf32, #tpu.memory_space<vmem>>, vector<1024x128xf32>
    tpu.vector_store %arg5[%swap3A_25, %swap3A_26], %mul3A {strides = array<i32>} : memref<1024x128xf32, #tpu.memory_space<vmem>>, vector<1024x128xf32>,
    %swap3A_28 = arith.constant 0 : index
    %swap3A_29 = arith.constant 0 : index
    %swap3A_30 = vector.load %arg6[%swap3A_28, %swap3A_29] : memref<1024x128xf32, #tpu.memory_space<vmem>>, vector<1024x128xf32>
    tpu.vector_store %arg6[%swap3A_28, %swap3A_29], %rsqrt3A {strides = array<i32>} : memref<1024x128xf32, #tpu.memory_space<vmem>>, vector<1024x128xf32>,
    %swap3A_31 = arith.constant 0 : index
    %swap3A_32 = arith.constant 0 : index
    %swap3A_33 = vector.load %arg7[%swap3A_31, %swap3A_32] : memref<1024x128xf32, #tpu.memory_space<vmem>>, vector<1024x128xf32>
    tpu.vector_store %arg7[%swap3A_31, %swap3A_32], %rsqrt3A_22 {strides = array<i32>} : memref<1024x128xf32, #tpu.memory_space<vmem>>, vector<1024x128xf32>,
    return
  }
  func.func @transform_0(%arg0: i32) -> (i32, i32) {
    %c0_i32 = arith.constant 0 : i32
    %c0_i32_0 = arith.constant 0 : i32
    return %arg0, %c0_i32 : i32, i32
  }
  func.func @transform_1(%arg0: i32) -> (i32, i32) {
    %c0_i32 = arith.constant 0 : i32
    %c0_i32_0 = arith.constant 0 : i32
    %c0_i32_1 = arith.constant 0 : i32
    return %c0_i32, %c0_i32_0 : i32, i32
  }
  func.func @transform_2(%arg0: i32) -> (i32, i32, i32) {
    %c0_i32 = arith.constant 0 : i32
    %c0_i32_0 = arith.constant 0 : i32
    %c0_i32_1 = arith.constant 0 : i32
    return %c0_i32, %arg0, %c0_i32_0 : i32, i32, i32
  }
  func.func @transform_3(%arg0: i32) -> (i32, i32) {
    %c0_i32 = arith.constant 0 : i32
    %c0_i32_0 = arith.constant 0 : i32
    return %arg0, %c0_i32 : i32, i32
  }
  func.func @transform_4(%arg0: i32) -> (i32, i32) {
    %c0_i32 = arith.constant 0 : i32
    %c0_i32_0 = arith.constant 0 : i32
    return %arg0, %c0_i32 : i32, i32
  }
  func.func @transform_5(%arg0: i32) -> (i32, i32) {
    %c0_i32 = arith.constant 0 : i32
    %c0_i32_0 = arith.constant 0 : i32
    return %arg0, %c0_i32 : i32, i32
  }
  func.func @transform_6(%arg0: i32) -> (i32, i32) {
    %c0_i32 = arith.constant 0 : i32
    %c0_i32_0 = arith.constant 0 : i32
    return %arg0, %c0_i32 : i32, i32
  }
}

module attributes {stable_mosaic.version = 14 : i64} {
  func.func @body(%arg0: i32, %arg1: memref<2x1024x128xf32, #tpu.memory_space<vmem>>, %arg2: memref<1024x128xf32, #tpu.memory_space<vmem>>, %arg3: memref<1024x128xf32, #tpu.memory_space<vmem>>, %arg4: memref<1024x128xf32, #tpu.memory_space<vmem>>, %arg5: memref<128x128xf32, #tpu.memory_space<vmem>>, %arg6: memref<1x128xf32, #tpu.memory_space<vmem>>, %arg7: memref<128x128xf32, #tpu.memory_space<vmem>>, %arg8: memref<1x128xf32, #tpu.memory_space<vmem>>, %arg9: memref<1024x128xf32, #tpu.memory_space<vmem>>, %arg10: memref<1024x128xf32, #tpu.memory_space<vmem>>) attributes {dimension_semantics = [#tpu.dimension_semantics<arbitrary>], iteration_bounds = array<i64: 10>, scalar_prefetch = 0 : i64, scratch_operands = 0 : i64, tpu.core_type = #tpu.core_type<tc>, window_params = [{transform_indices = @transform_0, window_bounds = array<i64: 2, 1024, 128>}, {transform_indices = @transform_1, window_bounds = array<i64: 1024, 128>}, {transform_indices = @transform_2, window_bounds = array<i64: 1024, 128>}, {transform_indices = @transform_3, window_bounds = array<i64: 1024, 128>}, {pipeline_mode = #tpu.pipeline_mode<synchronous>, transform_indices = @transform_4, window_bounds = array<i64: 128, 128>}, {pipeline_mode = #tpu.pipeline_mode<synchronous>, transform_indices = @transform_5, window_bounds = array<i64: 1, 128>}, {pipeline_mode = #tpu.pipeline_mode<synchronous>, transform_indices = @transform_6, window_bounds = array<i64: 128, 128>}, {pipeline_mode = #tpu.pipeline_mode<synchronous>, transform_indices = @transform_7, window_bounds = array<i64: 1, 128>}, {transform_indices = @transform_8, window_bounds = array<i64: 1024, 128>}, {transform_indices = @transform_9, window_bounds = array<i64: 1024, 128>}]} {
    %get3A = arith.constant 0 : index
    %get3A_0 = arith.constant 0 : index
    %get3A_1 = arith.constant 0 : index
    %get3A_2 = vector.load %arg1[%get3A, %get3A_0, %get3A_1] : memref<2x1024x128xf32, #tpu.memory_space<vmem>>, vector<2x1024x128xf32>
    %slice3A = vector.extract_strided_slice %get3A_2 {offsets = [0, 0, 0], sizes = [1, 1024, 128], strides = [1, 1, 1]} : vector<2x1024x128xf32> to vector<1x1024x128xf32>
    %squeeze3A = vector.shape_cast %slice3A : vector<1x1024x128xf32> to vector<1024x128xf32>
    %slice3A_3 = vector.extract_strided_slice %get3A_2 {offsets = [1, 0, 0], sizes = [1, 1024, 128], strides = [1, 1, 1]} : vector<2x1024x128xf32> to vector<1x1024x128xf32>
    %squeeze3A_4 = vector.shape_cast %slice3A_3 : vector<1x1024x128xf32> to vector<1024x128xf32>
    %add3A = arith.addf %squeeze3A, %squeeze3A_4 : vector<1024x128xf32>
    %get3A_5 = arith.constant 0 : index
    %get3A_6 = arith.constant 0 : index
    %get3A_7 = vector.load %arg3[%get3A_5, %get3A_6] : memref<1024x128xf32, #tpu.memory_space<vmem>>, vector<1024x128xf32>
    %mul3A = arith.mulf %add3A, %get3A_7 : vector<1024x128xf32>
    %get3A_8 = arith.constant 0 : index
    %get3A_9 = arith.constant 0 : index
    %get3A_10 = vector.load %arg2[%get3A_8, %get3A_9] : memref<1024x128xf32, #tpu.memory_space<vmem>>, vector<1024x128xf32>
    %get3A_11 = arith.constant 0 : index
    %get3A_12 = arith.constant 0 : index
    %get3A_13 = vector.load %arg5[%get3A_11, %get3A_12] : memref<128x128xf32, #tpu.memory_space<vmem>>, vector<128x128xf32>
    %dot_general3A = arith.constant dense<0.000000e+00> : vector<1024x128xf32>
    %dot_general3A_14 = tpu.matmul %mul3A, %get3A_13, %dot_general3A {dimension_numbers = #tpu.dot_dimension_numbers<[1], [0], [0], [1], [0, 0, 1, 1], [], []>, transpose_lhs_hint = false} : vector<1024x128xf32>, vector<128x128xf32>, vector<1024x128xf32> -> vector<1024x128xf32>
    %get3A_15 = arith.constant 0 : index
    %get3A_16 = arith.constant 0 : index
    %get3A_17 = vector.load %arg6[%get3A_15, %get3A_16] : memref<1x128xf32, #tpu.memory_space<vmem>>, vector<1x128xf32>
    %add3A_18 = vector.broadcast %get3A_17 : vector<1x128xf32> to vector<1024x128xf32>
    %add3A_19 = arith.addf %dot_general3A_14, %add3A_18 : vector<1024x128xf32>
    %max3A = arith.constant 0.000000e+00 : f32
    %max3A_20 = vector.broadcast %max3A : f32 to vector<1024x128xf32>
    %max3A_21 = arith.maximumf %add3A_19, %max3A_20 : vector<1024x128xf32>
    %get3A_22 = arith.constant 0 : index
    %get3A_23 = arith.constant 0 : index
    %get3A_24 = vector.load %arg7[%get3A_22, %get3A_23] : memref<128x128xf32, #tpu.memory_space<vmem>>, vector<128x128xf32>
    %dot_general3A_25 = arith.constant dense<0.000000e+00> : vector<1024x128xf32>
    %dot_general3A_26 = tpu.matmul %get3A_10, %get3A_24, %dot_general3A_25 {dimension_numbers = #tpu.dot_dimension_numbers<[1], [0], [0], [1], [0, 0, 1, 1], [], []>, transpose_lhs_hint = false} : vector<1024x128xf32>, vector<128x128xf32>, vector<1024x128xf32> -> vector<1024x128xf32>
    %get3A_27 = arith.constant 0 : index
    %get3A_28 = arith.constant 0 : index
    %get3A_29 = vector.load %arg8[%get3A_27, %get3A_28] : memref<1x128xf32, #tpu.memory_space<vmem>>, vector<1x128xf32>
    %add3A_30 = vector.broadcast %get3A_29 : vector<1x128xf32> to vector<1024x128xf32>
    %add3A_31 = arith.addf %dot_general3A_26, %add3A_30 : vector<1024x128xf32>
    %max3A_32 = arith.constant 0.000000e+00 : f32
    %max3A_33 = vector.broadcast %max3A_32 : f32 to vector<1024x128xf32>
    %max3A_34 = arith.maximumf %add3A_31, %max3A_33 : vector<1024x128xf32>
    %add3A_35 = arith.addf %max3A_21, %max3A_34 : vector<1024x128xf32>
    %swap3A = arith.constant 0 : index
    %swap3A_36 = arith.constant 0 : index
    %swap3A_37 = vector.load %arg9[%swap3A, %swap3A_36] : memref<1024x128xf32, #tpu.memory_space<vmem>>, vector<1024x128xf32>
    tpu.vector_store %arg9[%swap3A, %swap3A_36], %add3A_35 {strides = array<i32>} : memref<1024x128xf32, #tpu.memory_space<vmem>>, vector<1024x128xf32>,
    %get3A_38 = arith.constant 0 : index
    %get3A_39 = arith.constant 0 : index
    %get3A_40 = vector.load %arg4[%get3A_38, %get3A_39] : memref<1024x128xf32, #tpu.memory_space<vmem>>, vector<1024x128xf32>
    %mul3A_41 = arith.mulf %add3A_35, %get3A_40 : vector<1024x128xf32>
    %swap3A_42 = arith.constant 0 : index
    %swap3A_43 = arith.constant 0 : index
    %swap3A_44 = vector.load %arg10[%swap3A_42, %swap3A_43] : memref<1024x128xf32, #tpu.memory_space<vmem>>, vector<1024x128xf32>
    tpu.vector_store %arg10[%swap3A_42, %swap3A_43], %mul3A_41 {strides = array<i32>} : memref<1024x128xf32, #tpu.memory_space<vmem>>, vector<1024x128xf32>,
    return
  }
  func.func @transform_0(%arg0: i32) -> (i32, i32, i32) {
    %c0_i32 = arith.constant 0 : i32
    %c0_i32_0 = arith.constant 0 : i32
    %c0_i32_1 = arith.constant 0 : i32
    return %c0_i32, %arg0, %c0_i32_0 : i32, i32, i32
  }
  func.func @transform_1(%arg0: i32) -> (i32, i32) {
    %c0_i32 = arith.constant 0 : i32
    %c0_i32_0 = arith.constant 0 : i32
    return %arg0, %c0_i32 : i32, i32
  }
  func.func @transform_2(%arg0: i32) -> (i32, i32) {
    %c0_i32 = arith.constant 0 : i32
    %c0_i32_0 = arith.constant 0 : i32
    return %arg0, %c0_i32 : i32, i32
  }
  func.func @transform_3(%arg0: i32) -> (i32, i32) {
    %c0_i32 = arith.constant 0 : i32
    %c0_i32_0 = arith.constant 0 : i32
    return %arg0, %c0_i32 : i32, i32
  }
  func.func @transform_4(%arg0: i32) -> (i32, i32) {
    %c0_i32 = arith.constant 0 : i32
    %c0_i32_0 = arith.constant 0 : i32
    %c0_i32_1 = arith.constant 0 : i32
    return %c0_i32, %c0_i32_0 : i32, i32
  }
  func.func @transform_5(%arg0: i32) -> (i32, i32) {
    %c0_i32 = arith.constant 0 : i32
    %c0_i32_0 = arith.constant 0 : i32
    %c0_i32_1 = arith.constant 0 : i32
    return %c0_i32, %c0_i32_0 : i32, i32
  }
  func.func @transform_6(%arg0: i32) -> (i32, i32) {
    %c0_i32 = arith.constant 0 : i32
    %c0_i32_0 = arith.constant 0 : i32
    %c0_i32_1 = arith.constant 0 : i32
    return %c0_i32, %c0_i32_0 : i32, i32
  }
  func.func @transform_7(%arg0: i32) -> (i32, i32) {
    %c0_i32 = arith.constant 0 : i32
    %c0_i32_0 = arith.constant 0 : i32
    %c0_i32_1 = arith.constant 0 : i32
    return %c0_i32, %c0_i32_0 : i32, i32
  }
  func.func @transform_8(%arg0: i32) -> (i32, i32) {
    %c0_i32 = arith.constant 0 : i32
    %c0_i32_0 = arith.constant 0 : i32
    return %arg0, %c0_i32 : i32, i32
  }
  func.func @transform_9(%arg0: i32) -> (i32, i32) {
    %c0_i32 = arith.constant 0 : i32
    %c0_i32_0 = arith.constant 0 : i32
    return %arg0, %c0_i32 : i32, i32
  }
}

module attributes {stable_mosaic.version = 14 : i64} {
  func.func @body(%arg0: i32, %arg1: memref<512x2560xf32, #tpu.memory_space<vmem>>, %arg2: memref<2560x128xf32, #tpu.memory_space<vmem>>, %arg3: memref<1x128xf32, #tpu.memory_space<vmem>>, %arg4: memref<2x256x128xf32, #tpu.memory_space<vmem>>, %arg5: memref<8x128xf32, #tpu.memory_space<vmem>>, %arg6: memref<8x128xf32, #tpu.memory_space<vmem>>) attributes {dimension_semantics = [#tpu.dimension_semantics<arbitrary>], iteration_bounds = array<i64: 8>, scalar_prefetch = 0 : i64, scratch_operands = 0 : i64, tpu.core_type = #tpu.core_type<tc>, window_params = [{transform_indices = @transform_0, window_bounds = array<i64: 512, 2560>}, {pipeline_mode = #tpu.pipeline_mode<synchronous>, transform_indices = @transform_1, window_bounds = array<i64: 2560, 128>}, {pipeline_mode = #tpu.pipeline_mode<synchronous>, transform_indices = @transform_2, window_bounds = array<i64: 1, 128>}, {transform_indices = @transform_3, window_bounds = array<i64: 2, 256, 128>}, {pipeline_mode = #tpu.pipeline_mode<synchronous>, transform_indices = @transform_4, window_bounds = array<i64: 8, 128>}, {pipeline_mode = #tpu.pipeline_mode<synchronous>, transform_indices = @transform_5, window_bounds = array<i64: 8, 128>}]} {
    %get3A = arith.constant 0 : index
    %get3A_0 = arith.constant 0 : index
    %get3A_1 = vector.load %arg1[%get3A, %get3A_0] : memref<512x2560xf32, #tpu.memory_space<vmem>>, vector<512x2560xf32>
    %get3A_2 = arith.constant 0 : index
    %get3A_3 = arith.constant 0 : index
    %get3A_4 = vector.load %arg2[%get3A_2, %get3A_3] : memref<2560x128xf32, #tpu.memory_space<vmem>>, vector<2560x128xf32>
    %dot_general3A = arith.constant dense<0.000000e+00> : vector<512x128xf32>
    %dot_general3A_5 = tpu.matmul %get3A_1, %get3A_4, %dot_general3A {dimension_numbers = #tpu.dot_dimension_numbers<[1], [0], [0], [1], [0, 0, 1, 1], [], []>, transpose_lhs_hint = false} : vector<512x2560xf32>, vector<2560x128xf32>, vector<512x128xf32> -> vector<512x128xf32>
    %get3A_6 = arith.constant 0 : index
    %get3A_7 = arith.constant 0 : index
    %get3A_8 = vector.load %arg3[%get3A_6, %get3A_7] : memref<1x128xf32, #tpu.memory_space<vmem>>, vector<1x128xf32>
    %add3A = vector.broadcast %get3A_8 : vector<1x128xf32> to vector<512x128xf32>
    %add3A_9 = arith.addf %dot_general3A_5, %add3A : vector<512x128xf32>
    %max3A = arith.constant 0.000000e+00 : f32
    %max3A_10 = vector.broadcast %max3A : f32 to vector<512x128xf32>
    %max3A_11 = arith.maximumf %add3A_9, %max3A_10 : vector<512x128xf32>
    %reshape3A = vector.shape_cast %max3A_11 : vector<512x128xf32> to vector<2x256x128xf32>
    %swap3A = arith.constant 0 : index
    %swap3A_12 = arith.constant 0 : index
    %swap3A_13 = arith.constant 0 : index
    %swap3A_14 = vector.load %arg4[%swap3A, %swap3A_12, %swap3A_13] : memref<2x256x128xf32, #tpu.memory_space<vmem>>, vector<2x256x128xf32>
    tpu.vector_store %arg4[%swap3A, %swap3A_12, %swap3A_13], %reshape3A {strides = array<i32>} : memref<2x256x128xf32, #tpu.memory_space<vmem>>, vector<2x256x128xf32>,
    %reduce_sum3A = arith.constant dense<0.000000e+00> : vector<128xf32>
    %reduce_sum3A_15 = vector.multi_reduction <add>, %max3A_11, %reduce_sum3A [0] : vector<512x128xf32> to vector<128xf32>
    %broadcast_in_dim3A = vector.shape_cast %reduce_sum3A_15 : vector<128xf32> to vector<1x128xf32>
    %broadcast_in_dim3A_16 = vector.shape_cast %broadcast_in_dim3A : vector<1x128xf32> to vector<1x128xf32>
    %broadcast_in_dim3A_17 = vector.broadcast %broadcast_in_dim3A_16 : vector<1x128xf32> to vector<8x128xf32>
    %mul3A = arith.mulf %max3A_11, %max3A_11 : vector<512x128xf32>
    %reduce_sum3A_18 = arith.constant dense<0.000000e+00> : vector<128xf32>
    %reduce_sum3A_19 = vector.multi_reduction <add>, %mul3A, %reduce_sum3A_18 [0] : vector<512x128xf32> to vector<128xf32>
    %broadcast_in_dim3A_20 = vector.shape_cast %reduce_sum3A_19 : vector<128xf32> to vector<1x128xf32>
    %broadcast_in_dim3A_21 = vector.shape_cast %broadcast_in_dim3A_20 : vector<1x128xf32> to vector<1x128xf32>
    %broadcast_in_dim3A_22 = vector.broadcast %broadcast_in_dim3A_21 : vector<1x128xf32> to vector<8x128xf32>
    %eq3A = arith.constant 0 : i32
    %eq3A_23 = arith.cmpi eq, %arg0, %eq3A : i32
    %convert_element_type3A = arith.extui %eq3A_23 : i1 to i32
    %cond3A = arith.constant 0 : i32
    %cond3A_24 = arith.cmpi ne, %convert_element_type3A, %cond3A : i32
    scf.if %cond3A_24 {
      %swap3A_29 = arith.constant 0 : index
      %swap3A_30 = arith.constant 0 : index
      %swap3A_31 = vector.load %arg5[%swap3A_29, %swap3A_30] : memref<8x128xf32, #tpu.memory_space<vmem>>, vector<8x128xf32>
      tpu.vector_store %arg5[%swap3A_29, %swap3A_30], %broadcast_in_dim3A_17 {strides = array<i32>} : memref<8x128xf32, #tpu.memory_space<vmem>>, vector<8x128xf32>,
      %swap3A_32 = arith.constant 0 : index
      %swap3A_33 = arith.constant 0 : index
      %swap3A_34 = vector.load %arg6[%swap3A_32, %swap3A_33] : memref<8x128xf32, #tpu.memory_space<vmem>>, vector<8x128xf32>
      tpu.vector_store %arg6[%swap3A_32, %swap3A_33], %broadcast_in_dim3A_22 {strides = array<i32>} : memref<8x128xf32, #tpu.memory_space<vmem>>, vector<8x128xf32>,
    } else {
    }
    %ne3A = arith.constant 0 : i32
    %ne3A_25 = arith.cmpi ne, %arg0, %ne3A : i32
    %convert_element_type3A_26 = arith.extui %ne3A_25 : i1 to i32
    %cond3A_27 = arith.constant 0 : i32
    %cond3A_28 = arith.cmpi ne, %convert_element_type3A_26, %cond3A_27 : i32
    scf.if %cond3A_28 {
      %get3A_29 = arith.constant 0 : index
      %get3A_30 = arith.constant 0 : index
      %get3A_31 = vector.load %arg5[%get3A_29, %get3A_30] : memref<8x128xf32, #tpu.memory_space<vmem>>, vector<8x128xf32>
      %add3A_32 = arith.addf %get3A_31, %broadcast_in_dim3A_17 : vector<8x128xf32>
      %swap3A_33 = arith.constant 0 : index
      %swap3A_34 = arith.constant 0 : index
      %swap3A_35 = vector.load %arg5[%swap3A_33, %swap3A_34] : memref<8x128xf32, #tpu.memory_space<vmem>>, vector<8x128xf32>
      tpu.vector_store %arg5[%swap3A_33, %swap3A_34], %add3A_32 {strides = array<i32>} : memref<8x128xf32, #tpu.memory_space<vmem>>, vector<8x128xf32>,
      %get3A_36 = arith.constant 0 : index
      %get3A_37 = arith.constant 0 : index
      %get3A_38 = vector.load %arg6[%get3A_36, %get3A_37] : memref<8x128xf32, #tpu.memory_space<vmem>>, vector<8x128xf32>
      %add3A_39 = arith.addf %get3A_38, %broadcast_in_dim3A_22 : vector<8x128xf32>
      %swap3A_40 = arith.constant 0 : index
      %swap3A_41 = arith.constant 0 : index
      %swap3A_42 = vector.load %arg6[%swap3A_40, %swap3A_41] : memref<8x128xf32, #tpu.memory_space<vmem>>, vector<8x128xf32>
      tpu.vector_store %arg6[%swap3A_40, %swap3A_41], %add3A_39 {strides = array<i32>} : memref<8x128xf32, #tpu.memory_space<vmem>>, vector<8x128xf32>,
    } else {
    }
    return
  }
  func.func @transform_0(%arg0: i32) -> (i32, i32) {
    %c0_i32 = arith.constant 0 : i32
    %c0_i32_0 = arith.constant 0 : i32
    return %arg0, %c0_i32 : i32, i32
  }
  func.func @transform_1(%arg0: i32) -> (i32, i32) {
    %c0_i32 = arith.constant 0 : i32
    %c0_i32_0 = arith.constant 0 : i32
    %c0_i32_1 = arith.constant 0 : i32
    return %c0_i32, %c0_i32_0 : i32, i32
  }
  func.func @transform_2(%arg0: i32) -> (i32, i32) {
    %c0_i32 = arith.constant 0 : i32
    %c0_i32_0 = arith.constant 0 : i32
    %c0_i32_1 = arith.constant 0 : i32
    return %c0_i32, %c0_i32_0 : i32, i32
  }
  func.func @transform_3(%arg0: i32) -> (i32, i32, i32) {
    %c0_i32 = arith.constant 0 : i32
    %c0_i32_0 = arith.constant 0 : i32
    %c0_i32_1 = arith.constant 0 : i32
    return %arg0, %c0_i32, %c0_i32_0 : i32, i32, i32
  }
  func.func @transform_4(%arg0: i32) -> (i32, i32) {
    %c0_i32 = arith.constant 0 : i32
    %c0_i32_0 = arith.constant 0 : i32
    %c0_i32_1 = arith.constant 0 : i32
    return %c0_i32, %c0_i32_0 : i32, i32
  }
  func.func @transform_5(%arg0: i32) -> (i32, i32) {
    %c0_i32 = arith.constant 0 : i32
    %c0_i32_0 = arith.constant 0 : i32
    %c0_i32_1 = arith.constant 0 : i32
    return %c0_i32, %c0_i32_0 : i32, i32
  }
}

module attributes {stable_mosaic.version = 14 : i64} {
  func.func @body(%arg0: i32, %arg1: memref<2x1024x128xf32, #tpu.memory_space<vmem>>, %arg2: memref<1024x128xf32, #tpu.memory_space<vmem>>, %arg3: memref<1024x128xf32, #tpu.memory_space<vmem>>, %arg4: memref<1024x128xf32, #tpu.memory_space<vmem>>, %arg5: memref<128x128xf32, #tpu.memory_space<vmem>>, %arg6: memref<1x128xf32, #tpu.memory_space<vmem>>, %arg7: memref<128x128xf32, #tpu.memory_space<vmem>>, %arg8: memref<1x128xf32, #tpu.memory_space<vmem>>, %arg9: memref<1024x128xf32, #tpu.memory_space<vmem>>, %arg10: memref<1024x128xf32, #tpu.memory_space<vmem>>) attributes {dimension_semantics = [#tpu.dimension_semantics<arbitrary>], iteration_bounds = array<i64: 10>, scalar_prefetch = 0 : i64, scratch_operands = 0 : i64, tpu.core_type = #tpu.core_type<tc>, window_params = [{transform_indices = @transform_0, window_bounds = array<i64: 2, 1024, 128>}, {transform_indices = @transform_1, window_bounds = array<i64: 1024, 128>}, {transform_indices = @transform_2, window_bounds = array<i64: 1024, 128>}, {transform_indices = @transform_3, window_bounds = array<i64: 1024, 128>}, {pipeline_mode = #tpu.pipeline_mode<synchronous>, transform_indices = @transform_4, window_bounds = array<i64: 128, 128>}, {pipeline_mode = #tpu.pipeline_mode<synchronous>, transform_indices = @transform_5, window_bounds = array<i64: 1, 128>}, {pipeline_mode = #tpu.pipeline_mode<synchronous>, transform_indices = @transform_6, window_bounds = array<i64: 128, 128>}, {pipeline_mode = #tpu.pipeline_mode<synchronous>, transform_indices = @transform_7, window_bounds = array<i64: 1, 128>}, {transform_indices = @transform_8, window_bounds = array<i64: 1024, 128>}, {transform_indices = @transform_9, window_bounds = array<i64: 1024, 128>}]} {
    %get3A = arith.constant 0 : index
    %get3A_0 = arith.constant 0 : index
    %get3A_1 = arith.constant 0 : index
    %get3A_2 = vector.load %arg1[%get3A, %get3A_0, %get3A_1] : memref<2x1024x128xf32, #tpu.memory_space<vmem>>, vector<2x1024x128xf32>
    %slice3A = vector.extract_strided_slice %get3A_2 {offsets = [0, 0, 0], sizes = [1, 1024, 128], strides = [1, 1, 1]} : vector<2x1024x128xf32> to vector<1x1024x128xf32>
    %squeeze3A = vector.shape_cast %slice3A : vector<1x1024x128xf32> to vector<1024x128xf32>
    %slice3A_3 = vector.extract_strided_slice %get3A_2 {offsets = [1, 0, 0], sizes = [1, 1024, 128], strides = [1, 1, 1]} : vector<2x1024x128xf32> to vector<1x1024x128xf32>
    %squeeze3A_4 = vector.shape_cast %slice3A_3 : vector<1x1024x128xf32> to vector<1024x128xf32>
    %add3A = arith.addf %squeeze3A, %squeeze3A_4 : vector<1024x128xf32>
    %get3A_5 = arith.constant 0 : index
    %get3A_6 = arith.constant 0 : index
    %get3A_7 = vector.load %arg3[%get3A_5, %get3A_6] : memref<1024x128xf32, #tpu.memory_space<vmem>>, vector<1024x128xf32>
    %mul3A = arith.mulf %add3A, %get3A_7 : vector<1024x128xf32>
    %get3A_8 = arith.constant 0 : index
    %get3A_9 = arith.constant 0 : index
    %get3A_10 = vector.load %arg2[%get3A_8, %get3A_9] : memref<1024x128xf32, #tpu.memory_space<vmem>>, vector<1024x128xf32>
    %get3A_11 = arith.constant 0 : index
    %get3A_12 = arith.constant 0 : index
    %get3A_13 = vector.load %arg5[%get3A_11, %get3A_12] : memref<128x128xf32, #tpu.memory_space<vmem>>, vector<128x128xf32>
    %dot_general3A = arith.constant dense<0.000000e+00> : vector<1024x128xf32>
    %dot_general3A_14 = tpu.matmul %mul3A, %get3A_13, %dot_general3A {dimension_numbers = #tpu.dot_dimension_numbers<[1], [0], [0], [1], [0, 0, 1, 1], [], []>, transpose_lhs_hint = false} : vector<1024x128xf32>, vector<128x128xf32>, vector<1024x128xf32> -> vector<1024x128xf32>
    %get3A_15 = arith.constant 0 : index
    %get3A_16 = arith.constant 0 : index
    %get3A_17 = vector.load %arg6[%get3A_15, %get3A_16] : memref<1x128xf32, #tpu.memory_space<vmem>>, vector<1x128xf32>
    %add3A_18 = vector.broadcast %get3A_17 : vector<1x128xf32> to vector<1024x128xf32>
    %add3A_19 = arith.addf %dot_general3A_14, %add3A_18 : vector<1024x128xf32>
    %max3A = arith.constant 0.000000e+00 : f32
    %max3A_20 = vector.broadcast %max3A : f32 to vector<1024x128xf32>
    %max3A_21 = arith.maximumf %add3A_19, %max3A_20 : vector<1024x128xf32>
    %get3A_22 = arith.constant 0 : index
    %get3A_23 = arith.constant 0 : index
    %get3A_24 = vector.load %arg7[%get3A_22, %get3A_23] : memref<128x128xf32, #tpu.memory_space<vmem>>, vector<128x128xf32>
    %dot_general3A_25 = arith.constant dense<0.000000e+00> : vector<1024x128xf32>
    %dot_general3A_26 = tpu.matmul %get3A_10, %get3A_24, %dot_general3A_25 {dimension_numbers = #tpu.dot_dimension_numbers<[1], [0], [0], [1], [0, 0, 1, 1], [], []>, transpose_lhs_hint = false} : vector<1024x128xf32>, vector<128x128xf32>, vector<1024x128xf32> -> vector<1024x128xf32>
    %get3A_27 = arith.constant 0 : index
    %get3A_28 = arith.constant 0 : index
    %get3A_29 = vector.load %arg8[%get3A_27, %get3A_28] : memref<1x128xf32, #tpu.memory_space<vmem>>, vector<1x128xf32>
    %add3A_30 = vector.broadcast %get3A_29 : vector<1x128xf32> to vector<1024x128xf32>
    %add3A_31 = arith.addf %dot_general3A_26, %add3A_30 : vector<1024x128xf32>
    %max3A_32 = arith.constant 0.000000e+00 : f32
    %max3A_33 = vector.broadcast %max3A_32 : f32 to vector<1024x128xf32>
    %max3A_34 = arith.maximumf %add3A_31, %max3A_33 : vector<1024x128xf32>
    %add3A_35 = arith.addf %max3A_21, %max3A_34 : vector<1024x128xf32>
    %swap3A = arith.constant 0 : index
    %swap3A_36 = arith.constant 0 : index
    %swap3A_37 = vector.load %arg9[%swap3A, %swap3A_36] : memref<1024x128xf32, #tpu.memory_space<vmem>>, vector<1024x128xf32>
    tpu.vector_store %arg9[%swap3A, %swap3A_36], %add3A_35 {strides = array<i32>} : memref<1024x128xf32, #tpu.memory_space<vmem>>, vector<1024x128xf32>,
    %get3A_38 = arith.constant 0 : index
    %get3A_39 = arith.constant 0 : index
    %get3A_40 = vector.load %arg4[%get3A_38, %get3A_39] : memref<1024x128xf32, #tpu.memory_space<vmem>>, vector<1024x128xf32>
    %mul3A_41 = arith.mulf %add3A_35, %get3A_40 : vector<1024x128xf32>
    %swap3A_42 = arith.constant 0 : index
    %swap3A_43 = arith.constant 0 : index
    %swap3A_44 = vector.load %arg10[%swap3A_42, %swap3A_43] : memref<1024x128xf32, #tpu.memory_space<vmem>>, vector<1024x128xf32>
    tpu.vector_store %arg10[%swap3A_42, %swap3A_43], %mul3A_41 {strides = array<i32>} : memref<1024x128xf32, #tpu.memory_space<vmem>>, vector<1024x128xf32>,
    return
  }
  func.func @transform_0(%arg0: i32) -> (i32, i32, i32) {
    %c0_i32 = arith.constant 0 : i32
    %c0_i32_0 = arith.constant 0 : i32
    %c0_i32_1 = arith.constant 0 : i32
    return %c0_i32, %arg0, %c0_i32_0 : i32, i32, i32
  }
  func.func @transform_1(%arg0: i32) -> (i32, i32) {
    %c0_i32 = arith.constant 0 : i32
    %c0_i32_0 = arith.constant 0 : i32
    return %arg0, %c0_i32 : i32, i32
  }
  func.func @transform_2(%arg0: i32) -> (i32, i32) {
    %c0_i32 = arith.constant 0 : i32
    %c0_i32_0 = arith.constant 0 : i32
    return %arg0, %c0_i32 : i32, i32
  }
  func.func @transform_3(%arg0: i32) -> (i32, i32) {
    %c0_i32 = arith.constant 0 : i32
    %c0_i32_0 = arith.constant 0 : i32
    return %arg0, %c0_i32 : i32, i32
  }
  func.func @transform_4(%arg0: i32) -> (i32, i32) {
    %c0_i32 = arith.constant 0 : i32
    %c0_i32_0 = arith.constant 0 : i32
    %c0_i32_1 = arith.constant 0 : i32
    return %c0_i32, %c0_i32_0 : i32, i32
  }
  func.func @transform_5(%arg0: i32) -> (i32, i32) {
    %c0_i32 = arith.constant 0 : i32
    %c0_i32_0 = arith.constant 0 : i32
    %c0_i32_1 = arith.constant 0 : i32
    return %c0_i32, %c0_i32_0 : i32, i32
  }
  func.func @transform_6(%arg0: i32) -> (i32, i32) {
    %c0_i32 = arith.constant 0 : i32
    %c0_i32_0 = arith.constant 0 : i32
    %c0_i32_1 = arith.constant 0 : i32
    return %c0_i32, %c0_i32_0 : i32, i32
  }
  func.func @transform_7(%arg0: i32) -> (i32, i32) {
    %c0_i32 = arith.constant 0 : i32
    %c0_i32_0 = arith.constant 0 : i32
    %c0_i32_1 = arith.constant 0 : i32
    return %c0_i32, %c0_i32_0 : i32, i32
  }
  func.func @transform_8(%arg0: i32) -> (i32, i32) {
    %c0_i32 = arith.constant 0 : i32
    %c0_i32_0 = arith.constant 0 : i32
    return %arg0, %c0_i32 : i32, i32
  }
  func.func @transform_9(%arg0: i32) -> (i32, i32) {
    %c0_i32 = arith.constant 0 : i32
    %c0_i32_0 = arith.constant 0 : i32
    return %arg0, %c0_i32 : i32, i32
  }
}

module attributes {stable_mosaic.version = 14 : i64} {
  func.func @body(%arg0: memref<16x256x128xf32, #tpu.memory_space<vmem>>, %arg1: memref<8x128xf32, #tpu.memory_space<vmem>>, %arg2: memref<8x128xf32, #tpu.memory_space<vmem>>, %arg3: memref<16x625x128xf32, #tpu.memory_space<vmem>>, %arg4: memref<1x128xf32, #tpu.memory_space<vmem>>, %arg5: memref<1x128xf32, #tpu.memory_space<vmem>>, %arg6: memref<1x128xf32, #tpu.memory_space<vmem>>, %arg7: memref<128x1024xf32, #tpu.memory_space<vmem>>, %arg8: memref<1x1024xf32, #tpu.memory_space<vmem>>, %arg9: memref<1x1024xf32, #tpu.memory_space<vmem>>, %arg10: memref<1x1024xf32, #tpu.memory_space<vmem>>, %arg11: memref<1024x1024xf32, #tpu.memory_space<vmem>>, %arg12: memref<1x1024xf32, #tpu.memory_space<vmem>>, %arg13: memref<1x1024xf32, #tpu.memory_space<vmem>>, %arg14: memref<1x1024xf32, #tpu.memory_space<vmem>>, %arg15: memref<1024x256xf32, #tpu.memory_space<vmem>>, %arg16: memref<1x256xf32, #tpu.memory_space<vmem>>, %arg17: memref<1x256xf32, #tpu.memory_space<vmem>>, %arg18: memref<1x256xf32, #tpu.memory_space<vmem>>, %arg19: memref<256x1xf32, #tpu.memory_space<vmem>>, %arg20: memref<1x1xf32, #tpu.memory_space<vmem>>, %arg21: memref<16x1xf32, #tpu.memory_space<vmem>>) attributes {dimension_semantics = [], scalar_prefetch = 0 : i64, scratch_operands = 0 : i64, tpu.core_type = #tpu.core_type<tc>} {
    %get3A = arith.constant 0 : index
    %get3A_0 = arith.constant 0 : index
    %get3A_1 = vector.load %arg1[%get3A, %get3A_0] : memref<8x128xf32, #tpu.memory_space<vmem>>, vector<1x128xf32>
    %div3A = arith.constant 4.096000e+03 : f32
    %div3A_2 = vector.broadcast %div3A : f32 to vector<1x128xf32>
    %div3A_3 = arith.divf %get3A_1, %div3A_2 : vector<1x128xf32>
    %get3A_4 = arith.constant 0 : index
    %get3A_5 = arith.constant 0 : index
    %get3A_6 = vector.load %arg2[%get3A_4, %get3A_5] : memref<8x128xf32, #tpu.memory_space<vmem>>, vector<1x128xf32>
    %div3A_7 = arith.constant 4.096000e+03 : f32
    %div3A_8 = vector.broadcast %div3A_7 : f32 to vector<1x128xf32>
    %div3A_9 = arith.divf %get3A_6, %div3A_8 : vector<1x128xf32>
    %mul3A = arith.mulf %div3A_3, %div3A_3 : vector<1x128xf32>
    %sub3A = arith.subf %div3A_9, %mul3A : vector<1x128xf32>
    %get3A_10 = arith.constant 0 : index
    %get3A_11 = arith.constant 0 : index
    %get3A_12 = arith.constant 0 : index
    %get3A_13 = vector.load %arg0[%get3A_10, %get3A_11, %get3A_12] : memref<16x256x128xf32, #tpu.memory_space<vmem>>, vector<16x256x128xf32>
    %broadcast_in_dim3A = vector.shape_cast %div3A_3 : vector<1x128xf32> to vector<1x1x128xf32>
    %sub3A_14 = vector.broadcast %broadcast_in_dim3A : vector<1x1x128xf32> to vector<16x256x128xf32>
    %sub3A_15 = arith.subf %get3A_13, %sub3A_14 : vector<16x256x128xf32>
    %add3A = arith.constant 9.99999974E-6 : f32
    %add3A_16 = vector.broadcast %add3A : f32 to vector<1x128xf32>
    %add3A_17 = arith.addf %sub3A, %add3A_16 : vector<1x128xf32>
    %sqrt3A = math.sqrt %add3A_17 : vector<1x128xf32>
    %broadcast_in_dim3A_18 = vector.shape_cast %sqrt3A : vector<1x128xf32> to vector<1x1x128xf32>
    %div3A_19 = vector.broadcast %broadcast_in_dim3A_18 : vector<1x1x128xf32> to vector<16x256x128xf32>
    %div3A_20 = arith.divf %sub3A_15, %div3A_19 : vector<16x256x128xf32>
    %get3A_21 = arith.constant 0 : index
    %get3A_22 = arith.constant 0 : index
    %get3A_23 = vector.load %arg5[%get3A_21, %get3A_22] : memref<1x128xf32, #tpu.memory_space<vmem>>, vector<1x128xf32>
    %broadcast_in_dim3A_24 = vector.shape_cast %get3A_23 : vector<1x128xf32> to vector<1x1x128xf32>
    %mul3A_25 = vector.broadcast %broadcast_in_dim3A_24 : vector<1x1x128xf32> to vector<16x256x128xf32>
    %mul3A_26 = arith.mulf %div3A_20, %mul3A_25 : vector<16x256x128xf32>
    %get3A_27 = arith.constant 0 : index
    %get3A_28 = arith.constant 0 : index
    %get3A_29 = vector.load %arg6[%get3A_27, %get3A_28] : memref<1x128xf32, #tpu.memory_space<vmem>>, vector<1x128xf32>
    %broadcast_in_dim3A_30 = vector.shape_cast %get3A_29 : vector<1x128xf32> to vector<1x1x128xf32>
    %add3A_31 = vector.broadcast %broadcast_in_dim3A_30 : vector<1x1x128xf32> to vector<16x256x128xf32>
    %add3A_32 = arith.addf %mul3A_26, %add3A_31 : vector<16x256x128xf32>
    %get3A_33 = arith.constant 0 : index
    %get3A_34 = arith.constant 0 : index
    %get3A_35 = arith.constant 0 : index
    %get3A_36 = vector.load %arg3[%get3A_33, %get3A_34, %get3A_35] : memref<16x625x128xf32, #tpu.memory_space<vmem>>, vector<16x625x128xf32>
    %convert_element_type3A = arith.truncf %add3A_32 : vector<16x256x128xf32> to vector<16x256x128xbf16>
    %convert_element_type3A_37 = arith.extf %convert_element_type3A : vector<16x256x128xbf16> to vector<16x256x128xf32>
    %convert_element_type3A_38 = arith.truncf %get3A_36 : vector<16x625x128xf32> to vector<16x625x128xbf16>
    %convert_element_type3A_39 = arith.extf %convert_element_type3A_38 : vector<16x625x128xbf16> to vector<16x625x128xf32>
    %get3A_40 = arith.constant 0 : index
    %get3A_41 = arith.constant 0 : index
    %get3A_42 = vector.load %arg4[%get3A_40, %get3A_41] : memref<1x128xf32, #tpu.memory_space<vmem>>, vector<1x128xf32>
    %convert_element_type3A_43 = arith.truncf %get3A_42 : vector<1x128xf32> to vector<1x128xbf16>
    %convert_element_type3A_44 = arith.extf %convert_element_type3A_43 : vector<1x128xbf16> to vector<1x128xf32>
    %broadcast_in_dim3A_45 = vector.shape_cast %convert_element_type3A_44 : vector<1x128xf32> to vector<1x1x128xf32>
    %sqrt3A_46 = arith.constant 1.280000e+02 : f32
    %sqrt3A_47 = math.sqrt %sqrt3A_46 : f32
    %mul3A_48 = vector.broadcast %broadcast_in_dim3A_45 : vector<1x1x128xf32> to vector<16x256x128xf32>
    %mul3A_49 = arith.mulf %convert_element_type3A_37, %mul3A_48 : vector<16x256x128xf32>
    %reduce_sum3A = arith.constant dense<0.000000e+00> : vector<16x256xf32>
    %reduce_sum3A_50 = vector.multi_reduction <add>, %mul3A_49, %reduce_sum3A [2] : vector<16x256x128xf32> to vector<16x256xf32>
    %div3A_51 = vector.broadcast %sqrt3A_47 : f32 to vector<16x256xf32>
    %div3A_52 = arith.divf %reduce_sum3A_50, %div3A_51 : vector<16x256xf32>
    %mul3A_53 = vector.broadcast %broadcast_in_dim3A_45 : vector<1x1x128xf32> to vector<16x625x128xf32>
    %mul3A_54 = arith.mulf %convert_element_type3A_39, %mul3A_53 : vector<16x625x128xf32>
    %reduce_sum3A_55 = arith.constant dense<0.000000e+00> : vector<16x625xf32>
    %reduce_sum3A_56 = vector.multi_reduction <add>, %mul3A_54, %reduce_sum3A_55 [2] : vector<16x625x128xf32> to vector<16x625xf32>
    %div3A_57 = vector.broadcast %sqrt3A_47 : f32 to vector<16x625xf32>
    %div3A_58 = arith.divf %reduce_sum3A_56, %div3A_57 : vector<16x625xf32>
    %reduce_max3A = arith.constant dense<0xFF800000> : vector<16xf32>
    %reduce_max3A_59 = vector.multi_reduction <maximumf>, %div3A_52, %reduce_max3A [1] : vector<16x256xf32> to vector<16xf32>
    %broadcast_in_dim3A_60 = vector.shape_cast %reduce_max3A_59 : vector<16xf32> to vector<16x1xf32>
    %reduce_max3A_61 = arith.constant dense<0xFF800000> : vector<16xf32>
    %reduce_max3A_62 = vector.multi_reduction <maximumf>, %div3A_58, %reduce_max3A_61 [1] : vector<16x625xf32> to vector<16xf32>
    %broadcast_in_dim3A_63 = vector.shape_cast %reduce_max3A_62 : vector<16xf32> to vector<16x1xf32>
    %max3A = arith.maximumf %broadcast_in_dim3A_60, %broadcast_in_dim3A_63 : vector<16x1xf32>
    %sub3A_64 = vector.broadcast %max3A : vector<16x1xf32> to vector<16x256xf32>
    %sub3A_65 = arith.subf %div3A_52, %sub3A_64 : vector<16x256xf32>
    %exp3A = math.exp %sub3A_65 : vector<16x256xf32>
    %sub3A_66 = vector.broadcast %max3A : vector<16x1xf32> to vector<16x625xf32>
    %sub3A_67 = arith.subf %div3A_58, %sub3A_66 : vector<16x625xf32>
    %exp3A_68 = math.exp %sub3A_67 : vector<16x625xf32>
    %reduce_sum3A_69 = arith.constant dense<0.000000e+00> : vector<16xf32>
    %reduce_sum3A_70 = vector.multi_reduction <add>, %exp3A, %reduce_sum3A_69 [1] : vector<16x256xf32> to vector<16xf32>
    %broadcast_in_dim3A_71 = vector.shape_cast %reduce_sum3A_70 : vector<16xf32> to vector<16x1xf32>
    %reduce_sum3A_72 = arith.constant dense<0.000000e+00> : vector<16xf32>
    %reduce_sum3A_73 = vector.multi_reduction <add>, %exp3A_68, %reduce_sum3A_72 [1] : vector<16x625xf32> to vector<16xf32>
    %broadcast_in_dim3A_74 = vector.shape_cast %reduce_sum3A_73 : vector<16xf32> to vector<16x1xf32>
    %add3A_75 = arith.addf %broadcast_in_dim3A_71, %broadcast_in_dim3A_74 : vector<16x1xf32>
    %div3A_76 = vector.broadcast %add3A_75 : vector<16x1xf32> to vector<16x256xf32>
    %div3A_77 = arith.divf %exp3A, %div3A_76 : vector<16x256xf32>
    %convert_element_type3A_78 = arith.truncf %div3A_77 : vector<16x256xf32> to vector<16x256xbf16>
    %convert_element_type3A_79 = arith.extf %convert_element_type3A_78 : vector<16x256xbf16> to vector<16x256xf32>
    %div3A_80 = vector.broadcast %add3A_75 : vector<16x1xf32> to vector<16x625xf32>
    %div3A_81 = arith.divf %exp3A_68, %div3A_80 : vector<16x625xf32>
    %convert_element_type3A_82 = arith.truncf %div3A_81 : vector<16x625xf32> to vector<16x625xbf16>
    %convert_element_type3A_83 = arith.extf %convert_element_type3A_82 : vector<16x625xbf16> to vector<16x625xf32>
    %broadcast_in_dim3A_84 = vector.shape_cast %convert_element_type3A_79 : vector<16x256xf32> to vector<16x256x1xf32>
    %mul3A_85 = vector.broadcast %broadcast_in_dim3A_84 : vector<16x256x1xf32> to vector<16x256x128xf32>
    %mul3A_86 = arith.mulf %mul3A_85, %convert_element_type3A_37 : vector<16x256x128xf32>
    %reduce_sum3A_87 = arith.constant dense<0.000000e+00> : vector<16x128xf32>
    %reduce_sum3A_88 = vector.multi_reduction <add>, %mul3A_86, %reduce_sum3A_87 [1] : vector<16x256x128xf32> to vector<16x128xf32>
    %broadcast_in_dim3A_89 = vector.shape_cast %convert_element_type3A_83 : vector<16x625xf32> to vector<16x625x1xf32>
    %mul3A_90 = vector.broadcast %broadcast_in_dim3A_89 : vector<16x625x1xf32> to vector<16x625x128xf32>
    %mul3A_91 = arith.mulf %mul3A_90, %convert_element_type3A_39 : vector<16x625x128xf32>
    %reduce_sum3A_92 = arith.constant dense<0.000000e+00> : vector<16x128xf32>
    %reduce_sum3A_93 = vector.multi_reduction <add>, %mul3A_91, %reduce_sum3A_92 [1] : vector<16x625x128xf32> to vector<16x128xf32>
    %add3A_94 = arith.addf %reduce_sum3A_88, %reduce_sum3A_93 : vector<16x128xf32>
    %get3A_95 = arith.constant 0 : index
    %get3A_96 = arith.constant 0 : index
    %get3A_97 = vector.load %arg7[%get3A_95, %get3A_96] : memref<128x1024xf32, #tpu.memory_space<vmem>>, vector<128x1024xf32>
    %dot_general3A = arith.constant dense<0.000000e+00> : vector<16x1024xf32>
    %dot_general3A_98 = tpu.matmul %add3A_94, %get3A_97, %dot_general3A {dimension_numbers = #tpu.dot_dimension_numbers<[1], [0], [0], [1], [0, 0, 1, 1], [], []>, transpose_lhs_hint = false} : vector<16x128xf32>, vector<128x1024xf32>, vector<16x1024xf32> -> vector<16x1024xf32>
    %get3A_99 = arith.constant 0 : index
    %get3A_100 = arith.constant 0 : index
    %get3A_101 = vector.load %arg8[%get3A_99, %get3A_100] : memref<1x1024xf32, #tpu.memory_space<vmem>>, vector<1x1024xf32>
    %add3A_102 = vector.broadcast %get3A_101 : vector<1x1024xf32> to vector<16x1024xf32>
    %add3A_103 = arith.addf %dot_general3A_98, %add3A_102 : vector<16x1024xf32>
    %max3A_104 = arith.constant 0.000000e+00 : f32
    %max3A_105 = vector.broadcast %max3A_104 : f32 to vector<16x1024xf32>
    %max3A_106 = arith.maximumf %add3A_103, %max3A_105 : vector<16x1024xf32>
    %get3A_107 = arith.constant 0 : index
    %get3A_108 = arith.constant 0 : index
    %get3A_109 = vector.load %arg9[%get3A_107, %get3A_108] : memref<1x1024xf32, #tpu.memory_space<vmem>>, vector<1x1024xf32>
    %get3A_110 = arith.constant 0 : index
    %get3A_111 = arith.constant 0 : index
    %get3A_112 = vector.load %arg10[%get3A_110, %get3A_111] : memref<1x1024xf32, #tpu.memory_space<vmem>>, vector<1x1024xf32>
    %reduce_sum3A_113 = arith.constant dense<0.000000e+00> : vector<1024xf32>
    %reduce_sum3A_114 = vector.multi_reduction <add>, %max3A_106, %reduce_sum3A_113 [0] : vector<16x1024xf32> to vector<1024xf32>
    %broadcast_in_dim3A_115 = vector.shape_cast %reduce_sum3A_114 : vector<1024xf32> to vector<1x1024xf32>
    %div3A_116 = arith.constant 1.600000e+01 : f32
    %div3A_117 = vector.broadcast %div3A_116 : f32 to vector<1x1024xf32>
    %div3A_118 = arith.divf %broadcast_in_dim3A_115, %div3A_117 : vector<1x1024xf32>
    %sub3A_119 = vector.broadcast %div3A_118 : vector<1x1024xf32> to vector<16x1024xf32>
    %sub3A_120 = arith.subf %max3A_106, %sub3A_119 : vector<16x1024xf32>
    %sub3A_121 = vector.broadcast %div3A_118 : vector<1x1024xf32> to vector<16x1024xf32>
    %sub3A_122 = arith.subf %max3A_106, %sub3A_121 : vector<16x1024xf32>
    %mul3A_123 = arith.mulf %sub3A_120, %sub3A_122 : vector<16x1024xf32>
    %reduce_sum3A_124 = arith.constant dense<0.000000e+00> : vector<1024xf32>
    %reduce_sum3A_125 = vector.multi_reduction <add>, %mul3A_123, %reduce_sum3A_124 [0] : vector<16x1024xf32> to vector<1024xf32>
    %broadcast_in_dim3A_126 = vector.shape_cast %reduce_sum3A_125 : vector<1024xf32> to vector<1x1024xf32>
    %div3A_127 = arith.constant 1.600000e+01 : f32
    %div3A_128 = vector.broadcast %div3A_127 : f32 to vector<1x1024xf32>
    %div3A_129 = arith.divf %broadcast_in_dim3A_126, %div3A_128 : vector<1x1024xf32>
    %sub3A_130 = vector.broadcast %div3A_118 : vector<1x1024xf32> to vector<16x1024xf32>
    %sub3A_131 = arith.subf %max3A_106, %sub3A_130 : vector<16x1024xf32>
    %add3A_132 = arith.constant 9.99999974E-6 : f32
    %add3A_133 = vector.broadcast %add3A_132 : f32 to vector<1x1024xf32>
    %add3A_134 = arith.addf %div3A_129, %add3A_133 : vector<1x1024xf32>
    %sqrt3A_135 = math.sqrt %add3A_134 : vector<1x1024xf32>
    %div3A_136 = vector.broadcast %sqrt3A_135 : vector<1x1024xf32> to vector<16x1024xf32>
    %div3A_137 = arith.divf %sub3A_131, %div3A_136 : vector<16x1024xf32>
    %mul3A_138 = vector.broadcast %get3A_109 : vector<1x1024xf32> to vector<16x1024xf32>
    %mul3A_139 = arith.mulf %div3A_137, %mul3A_138 : vector<16x1024xf32>
    %add3A_140 = vector.broadcast %get3A_112 : vector<1x1024xf32> to vector<16x1024xf32>
    %add3A_141 = arith.addf %mul3A_139, %add3A_140 : vector<16x1024xf32>
    %get3A_142 = arith.constant 0 : index
    %get3A_143 = arith.constant 0 : index
    %get3A_144 = vector.load %arg11[%get3A_142, %get3A_143] : memref<1024x1024xf32, #tpu.memory_space<vmem>>, vector<1024x1024xf32>
    %dot_general3A_145 = arith.constant dense<0.000000e+00> : vector<16x1024xf32>
    %dot_general3A_146 = tpu.matmul %add3A_141, %get3A_144, %dot_general3A_145 {dimension_numbers = #tpu.dot_dimension_numbers<[1], [0], [0], [1], [0, 0, 1, 1], [], []>, transpose_lhs_hint = false} : vector<16x1024xf32>, vector<1024x1024xf32>, vector<16x1024xf32> -> vector<16x1024xf32>
    %get3A_147 = arith.constant 0 : index
    %get3A_148 = arith.constant 0 : index
    %get3A_149 = vector.load %arg12[%get3A_147, %get3A_148] : memref<1x1024xf32, #tpu.memory_space<vmem>>, vector<1x1024xf32>
    %add3A_150 = vector.broadcast %get3A_149 : vector<1x1024xf32> to vector<16x1024xf32>
    %add3A_151 = arith.addf %dot_general3A_146, %add3A_150 : vector<16x1024xf32>
    %max3A_152 = arith.constant 0.000000e+00 : f32
    %max3A_153 = vector.broadcast %max3A_152 : f32 to vector<16x1024xf32>
    %max3A_154 = arith.maximumf %add3A_151, %max3A_153 : vector<16x1024xf32>
    %get3A_155 = arith.constant 0 : index
    %get3A_156 = arith.constant 0 : index
    %get3A_157 = vector.load %arg13[%get3A_155, %get3A_156] : memref<1x1024xf32, #tpu.memory_space<vmem>>, vector<1x1024xf32>
    %get3A_158 = arith.constant 0 : index
    %get3A_159 = arith.constant 0 : index
    %get3A_160 = vector.load %arg14[%get3A_158, %get3A_159] : memref<1x1024xf32, #tpu.memory_space<vmem>>, vector<1x1024xf32>
    %reduce_sum3A_161 = arith.constant dense<0.000000e+00> : vector<1024xf32>
    %reduce_sum3A_162 = vector.multi_reduction <add>, %max3A_154, %reduce_sum3A_161 [0] : vector<16x1024xf32> to vector<1024xf32>
    %broadcast_in_dim3A_163 = vector.shape_cast %reduce_sum3A_162 : vector<1024xf32> to vector<1x1024xf32>
    %div3A_164 = arith.constant 1.600000e+01 : f32
    %div3A_165 = vector.broadcast %div3A_164 : f32 to vector<1x1024xf32>
    %div3A_166 = arith.divf %broadcast_in_dim3A_163, %div3A_165 : vector<1x1024xf32>
    %sub3A_167 = vector.broadcast %div3A_166 : vector<1x1024xf32> to vector<16x1024xf32>
    %sub3A_168 = arith.subf %max3A_154, %sub3A_167 : vector<16x1024xf32>
    %sub3A_169 = vector.broadcast %div3A_166 : vector<1x1024xf32> to vector<16x1024xf32>
    %sub3A_170 = arith.subf %max3A_154, %sub3A_169 : vector<16x1024xf32>
    %mul3A_171 = arith.mulf %sub3A_168, %sub3A_170 : vector<16x1024xf32>
    %reduce_sum3A_172 = arith.constant dense<0.000000e+00> : vector<1024xf32>
    %reduce_sum3A_173 = vector.multi_reduction <add>, %mul3A_171, %reduce_sum3A_172 [0] : vector<16x1024xf32> to vector<1024xf32>
    %broadcast_in_dim3A_174 = vector.shape_cast %reduce_sum3A_173 : vector<1024xf32> to vector<1x1024xf32>
    %div3A_175 = arith.constant 1.600000e+01 : f32
    %div3A_176 = vector.broadcast %div3A_175 : f32 to vector<1x1024xf32>
    %div3A_177 = arith.divf %broadcast_in_dim3A_174, %div3A_176 : vector<1x1024xf32>
    %sub3A_178 = vector.broadcast %div3A_166 : vector<1x1024xf32> to vector<16x1024xf32>
    %sub3A_179 = arith.subf %max3A_154, %sub3A_178 : vector<16x1024xf32>
    %add3A_180 = arith.constant 9.99999974E-6 : f32
    %add3A_181 = vector.broadcast %add3A_180 : f32 to vector<1x1024xf32>
    %add3A_182 = arith.addf %div3A_177, %add3A_181 : vector<1x1024xf32>
    %sqrt3A_183 = math.sqrt %add3A_182 : vector<1x1024xf32>
    %div3A_184 = vector.broadcast %sqrt3A_183 : vector<1x1024xf32> to vector<16x1024xf32>
    %div3A_185 = arith.divf %sub3A_179, %div3A_184 : vector<16x1024xf32>
    %mul3A_186 = vector.broadcast %get3A_157 : vector<1x1024xf32> to vector<16x1024xf32>
    %mul3A_187 = arith.mulf %div3A_185, %mul3A_186 : vector<16x1024xf32>
    %add3A_188 = vector.broadcast %get3A_160 : vector<1x1024xf32> to vector<16x1024xf32>
    %add3A_189 = arith.addf %mul3A_187, %add3A_188 : vector<16x1024xf32>
    %get3A_190 = arith.constant 0 : index
    %get3A_191 = arith.constant 0 : index
    %get3A_192 = vector.load %arg15[%get3A_190, %get3A_191] : memref<1024x256xf32, #tpu.memory_space<vmem>>, vector<1024x256xf32>
    %dot_general3A_193 = arith.constant dense<0.000000e+00> : vector<16x256xf32>
    %dot_general3A_194 = tpu.matmul %add3A_189, %get3A_192, %dot_general3A_193 {dimension_numbers = #tpu.dot_dimension_numbers<[1], [0], [0], [1], [0, 0, 1, 1], [], []>, transpose_lhs_hint = false} : vector<16x1024xf32>, vector<1024x256xf32>, vector<16x256xf32> -> vector<16x256xf32>
    %get3A_195 = arith.constant 0 : index
    %get3A_196 = arith.constant 0 : index
    %get3A_197 = vector.load %arg16[%get3A_195, %get3A_196] : memref<1x256xf32, #tpu.memory_space<vmem>>, vector<1x256xf32>
    %add3A_198 = vector.broadcast %get3A_197 : vector<1x256xf32> to vector<16x256xf32>
    %add3A_199 = arith.addf %dot_general3A_194, %add3A_198 : vector<16x256xf32>
    %max3A_200 = arith.constant 0.000000e+00 : f32
    %max3A_201 = vector.broadcast %max3A_200 : f32 to vector<16x256xf32>
    %max3A_202 = arith.maximumf %add3A_199, %max3A_201 : vector<16x256xf32>
    %get3A_203 = arith.constant 0 : index
    %get3A_204 = arith.constant 0 : index
    %get3A_205 = vector.load %arg17[%get3A_203, %get3A_204] : memref<1x256xf32, #tpu.memory_space<vmem>>, vector<1x256xf32>
    %get3A_206 = arith.constant 0 : index
    %get3A_207 = arith.constant 0 : index
    %get3A_208 = vector.load %arg18[%get3A_206, %get3A_207] : memref<1x256xf32, #tpu.memory_space<vmem>>, vector<1x256xf32>
    %reduce_sum3A_209 = arith.constant dense<0.000000e+00> : vector<256xf32>
    %reduce_sum3A_210 = vector.multi_reduction <add>, %max3A_202, %reduce_sum3A_209 [0] : vector<16x256xf32> to vector<256xf32>
    %broadcast_in_dim3A_211 = vector.shape_cast %reduce_sum3A_210 : vector<256xf32> to vector<1x256xf32>
    %div3A_212 = arith.constant 1.600000e+01 : f32
    %div3A_213 = vector.broadcast %div3A_212 : f32 to vector<1x256xf32>
    %div3A_214 = arith.divf %broadcast_in_dim3A_211, %div3A_213 : vector<1x256xf32>
    %sub3A_215 = vector.broadcast %div3A_214 : vector<1x256xf32> to vector<16x256xf32>
    %sub3A_216 = arith.subf %max3A_202, %sub3A_215 : vector<16x256xf32>
    %sub3A_217 = vector.broadcast %div3A_214 : vector<1x256xf32> to vector<16x256xf32>
    %sub3A_218 = arith.subf %max3A_202, %sub3A_217 : vector<16x256xf32>
    %mul3A_219 = arith.mulf %sub3A_216, %sub3A_218 : vector<16x256xf32>
    %reduce_sum3A_220 = arith.constant dense<0.000000e+00> : vector<256xf32>
    %reduce_sum3A_221 = vector.multi_reduction <add>, %mul3A_219, %reduce_sum3A_220 [0] : vector<16x256xf32> to vector<256xf32>
    %broadcast_in_dim3A_222 = vector.shape_cast %reduce_sum3A_221 : vector<256xf32> to vector<1x256xf32>
    %div3A_223 = arith.constant 1.600000e+01 : f32
    %div3A_224 = vector.broadcast %div3A_223 : f32 to vector<1x256xf32>
    %div3A_225 = arith.divf %broadcast_in_dim3A_222, %div3A_224 : vector<1x256xf32>
    %sub3A_226 = vector.broadcast %div3A_214 : vector<1x256xf32> to vector<16x256xf32>
    %sub3A_227 = arith.subf %max3A_202, %sub3A_226 : vector<16x256xf32>
    %add3A_228 = arith.constant 9.99999974E-6 : f32
    %add3A_229 = vector.broadcast %add3A_228 : f32 to vector<1x256xf32>
    %add3A_230 = arith.addf %div3A_225, %add3A_229 : vector<1x256xf32>
    %sqrt3A_231 = math.sqrt %add3A_230 : vector<1x256xf32>
    %div3A_232 = vector.broadcast %sqrt3A_231 : vector<1x256xf32> to vector<16x256xf32>
    %div3A_233 = arith.divf %sub3A_227, %div3A_232 : vector<16x256xf32>
    %mul3A_234 = vector.broadcast %get3A_205 : vector<1x256xf32> to vector<16x256xf32>
    %mul3A_235 = arith.mulf %div3A_233, %mul3A_234 : vector<16x256xf32>
    %add3A_236 = vector.broadcast %get3A_208 : vector<1x256xf32> to vector<16x256xf32>
    %add3A_237 = arith.addf %mul3A_235, %add3A_236 : vector<16x256xf32>
    %get3A_238 = arith.constant 0 : index
    %get3A_239 = arith.constant 0 : index
    %get3A_240 = vector.load %arg19[%get3A_238, %get3A_239] : memref<256x1xf32, #tpu.memory_space<vmem>>, vector<256x1xf32>
    %dot_general3A_241 = arith.constant dense<0.000000e+00> : vector<16x1xf32>
    %dot_general3A_242 = tpu.matmul %add3A_237, %get3A_240, %dot_general3A_241 {dimension_numbers = #tpu.dot_dimension_numbers<[1], [0], [0], [1], [0, 0, 1, 1], [], []>, transpose_lhs_hint = false} : vector<16x256xf32>, vector<256x1xf32>, vector<16x1xf32> -> vector<16x1xf32>
    %get3A_243 = arith.constant 0 : index
    %get3A_244 = arith.constant 0 : index
    %get3A_245 = vector.load %arg20[%get3A_243, %get3A_244] : memref<1x1xf32, #tpu.memory_space<vmem>>, vector<1x1xf32>
    %add3A_246 = vector.broadcast %get3A_245 : vector<1x1xf32> to vector<16x1xf32>
    %add3A_247 = arith.addf %dot_general3A_242, %add3A_246 : vector<16x1xf32>
    %swap3A = arith.constant 0 : index
    %swap3A_248 = arith.constant 0 : index
    %swap3A_249 = vector.load %arg21[%swap3A, %swap3A_248] : memref<16x1xf32, #tpu.memory_space<vmem>>, vector<16x1xf32>
    tpu.vector_store %arg21[%swap3A, %swap3A_248], %add3A_247 {strides = array<i32>} : memref<16x1xf32, #tpu.memory_space<vmem>>, vector<16x1xf32>,
    return
  }
}

</mosaic_0001>

<sc_bundles>
// kernel: kernel.12.cloned.1.call-start
scs
__scs_entry_jumppad:
0x0: {  	(pc) =	sbr.rel $0x88, $3  }
0x1: {  	(tag) =	ssettag $0x0;
	lr =	simm.s32 $0x1  }
0x2: {  	[smem:$0x3F7E] =	sst lr;
	_ =	strace $0xD0000000  }
0x3: {  	_ = 	snop  }
0x4: {  	_ = 	snop  }
0x5: {  	_ = 	snop  }
0x6: {  	_ = 	snop  }
0x7: {  	_ = 	snop  }
__scs_overlays_trampoline_lowered:
0x8: {  	[smem:$0x3F8D] =	sst s0  }
0x9: {  	[smem:$0x3F8E] =	sst s1  }
0xa: {  	[smem:$0x3F8F] =	sst s2  }
0xb: {  	[smem:$0x3F90] =	sst s3  }
0xc: {  	[smem:$0x3F91] =	sst s4  }
0xd: {  	[smem:$0x3F92] =	sst s5  }
0xe: {  	[smem:$0x3F93] =	sst s6  }
0xf: {  	[smem:$0x3F94] =	sst s7  }
0x10: {  	[smem:$0x3F95] =	sst s8  }
0x11: {  	[smem:$0x3F96] =	sst s9;
	s0 =	simm.s32 @!p0 $0x0  }
0x12: {  	s1 =	sld [smem:$0x3F7C];
	s0 =	simm.s32 @p0 $0x1  }
0x13: {  	[smem:$0x3F97] =	sst s0;
	s0 =	simm.s32 @!p1 $0x0  }
0x14: {  	s2 =	sld [smem:$0x3F7B];
	s0 =	simm.s32 @p1 $0x1  }
0x15: {  	[smem:$0x3F98] =	sst s0;
	s0 =	simm.s32 @!p2 $0x0  }
0x16: {  	s3 =	sld [smem:$0x3FDB];
	s0 =	simm.s32 @p2 $0x1  }
0x17: {  	s4 =	simm.s32 $0x1BF5;
	[smem:$0x3F9A] =	sst s0  }
0x18: {  	s0 =	sld [smem:$0x3F7D];
	_ =	swait.ge [sflag:s4], $0x0  }
0x19: {  	s7 =	sld [smem:$0x3F7E]  }
0x1a: {  	s8 =	sadd.s32 $0xFFFFE003, lr  }
0x1b: {  	s9 =	sadd.s32 $0xFFFFFEF7, lr;
	s5 =	simm.s32 $0xFFFFFFFF;
	p2 =	slt.u32 s8, $0xFFFFF086  }
0x1c: {  	p1 =	slt.u32 s9, $0xF7A;
	s5 =	simm.s32 @!p2 $0x0  }
0x1d: {  	s5 =	simm.s32 @p1 $0x1;
	p0 =	seq.s32 s7, s2  }
0x1e: {  	s7 =	smul.u32 @!p0 $0xF7A, s2;
	p2 =	seq.s32 @!p0 s5, $0x0  }
0x1f: {  	s9 =	smul.u32 $0xF7A, s1;
	s8 =	simm.s32 @!p0 $0x1BF5;
	p2 =	por !p2, p0  }
0x20: {  	[sflag:s8] =	ssyncset.s32 @!p0 $0xFFFFF086;
	s6 =	sadd.s32 @!p0 s3, s7;
	s7 =	simm.s32 @!p0 $0x108  }
0x21: {  	s3 =	sadd.s32 s3, s9;
	s6 =	sadd.s32 @!p0 $0x88, s6;
	s7 =	simm.s32 @p2 $0x1082  }
0x22: {  	[simem:s7], [sflag:s8] =	dma.local @!p0 [hbm:s6], $0xF7A  }
0x23: {  	s9 =	sor.u32 $0xD0000000, s2;
	s6 =	simm.s32 $0x108;
	_ =	swait.ge @!p0 [sflag:s8], $0x0  }
0x24: {  	s3 =	sadd.s32 $0x88, s3;
	s6 =	simm.s32 @!p1 $0x1082;
	[sflag:s4] =	ssyncset.s32 $0xFFFFF086  }
0x25: {  	[simem:s6], [sflag:s4] =	dma.local [hbm:s3], $0xF7A  }
0x26: {  	[smem:$0x3F7E] =	sst s1;
	(tag) =	ssettag s2;
	_ =	strace s9  }
0x27: {  	s1 =	sld [smem:$0x3F8E]  }
0x28: {  	s2 =	sld [smem:$0x3F8F]  }
0x29: {  	s4 =	sld [smem:$0x3F91]  }
0x2a: {  	p0 =	seq.s32 s5, $0x0;
	s5 =	sld [smem:$0x3F92]  }
0x2b: {  	s6 =	sld [smem:$0x3F93]  }
0x2c: {  	s7 =	sld [smem:$0x3F94]  }
0x2d: {  	s3 =	simm.s32 $0x108;
	s8 =	sld [smem:$0x3F95]  }
0x2e: {  	s3 =	simm.s32 @!p0 $0x1082;
	s9 =	sld [smem:$0x3F96]  }
0x2f: {  	lr =	sadd.s32 s0, s3;
	s0 =	sld [smem:$0x3F8D]  }
0x30: {  	s3 =	sld [smem:$0x3F90]  }
0x31: {  	[smem:$0x3F99] =	sst s10  }
0x32: {  	s10 =	sld [smem:$0x3F97];
	_ =	sdelay $0x3  }
0x33: {  	p0 =	seq.s32 s10, $0x1;
	s10 =	sld [smem:$0x3F99];
	_ =	sdelay $0x3  }
0x34: {  	[smem:$0x3F99] =	sst s10  }
0x35: {  	s10 =	sld [smem:$0x3F98];
	_ =	sdelay $0x3  }
0x36: {  	p1 =	seq.s32 s10, $0x1;
	s10 =	sld [smem:$0x3F99];
	_ =	sdelay $0x3  }
0x37: {  	[smem:$0x3F99] =	sst s10  }
0x38: {  	s10 =	sld [smem:$0x3F9A]  }
0x39: {  	_ = 	snop;
	(pc) =	sbr.ind lr, $3  }
0x3a: {  	_ = 	snop  }
0x3b: {  	_ = 	snop  }
0x3c: {  	p2 =	seq.s32 s10, $0x1;
	s10 =	sld [smem:$0x3F99]  }
0x3d: {  	_ =	shalt  }
0x3e: {  	_ =	shalt  }
0x3f: {  	_ =	shalt  }
0x40: {  	_ =	shalt  }
0x41: {  	_ =	shalt  }
0x42: {  	_ =	shalt  }
0x43: {  	_ =	shalt  }
0x44: {  	_ =	shalt  }
0x45: {  	_ =	shalt  }
0x46: {  	_ =	shalt  }
0x47: {  	_ =	shalt  }
0x48: {  	_ =	shalt  }
0x49: {  	_ =	shalt  }
0x4a: {  	_ =	shalt  }
0x4b: {  	_ =	shalt  }
0x4c: {  	_ =	shalt  }
0x4d: {  	_ =	shalt  }
0x4e: {  	_ =	shalt  }
0x4f: {  	_ =	shalt  }
0x50: {  	_ =	shalt  }
0x51: {  	_ =	shalt  }
0x52: {  	_ =	shalt  }
0x53: {  	_ =	shalt  }
0x54: {  	_ =	shalt  }
0x55: {  	_ =	shalt  }
0x56: {  	_ =	shalt  }
0x57: {  	_ =	shalt  }
0x58: {  	_ =	shalt  }
0x59: {  	_ =	shalt  }
0x5a: {  	_ =	shalt  }
0x5b: {  	_ =	shalt  }
0x5c: {  	_ =	shalt  }
0x5d: {  	_ =	shalt  }
0x5e: {  	_ =	shalt  }
0x5f: {  	_ =	shalt  }
0x60: {  	_ =	shalt  }
0x61: {  	_ =	shalt  }
0x62: {  	_ =	shalt  }
0x63: {  	_ =	shalt  }
0x64: {  	_ =	shalt  }
0x65: {  	_ =	shalt  }
0x66: {  	_ =	shalt  }
0x67: {  	_ =	shalt  }
0x68: {  	_ =	shalt  }
0x69: {  	_ =	shalt  }
0x6a: {  	_ =	shalt  }
0x6b: {  	_ =	shalt  }
0x6c: {  	_ =	shalt  }
0x6d: {  	_ =	shalt  }
0x6e: {  	_ =	shalt  }
0x6f: {  	_ =	shalt  }
0x70: {  	_ =	shalt  }
0x71: {  	_ =	shalt  }
0x72: {  	_ =	shalt  }
0x73: {  	_ =	shalt  }
0x74: {  	_ =	shalt  }
0x75: {  	_ =	shalt  }
0x76: {  	_ =	shalt  }
0x77: {  	_ =	shalt  }
0x78: {  	_ =	shalt  }
0x79: {  	_ =	shalt  }
0x7a: {  	_ =	shalt  }
0x7b: {  	_ =	shalt  }
0x7c: {  	_ =	shalt  }
0x7d: {  	_ =	shalt  }
0x7e: {  	_ =	shalt  }
0x7f: {  	_ =	shalt  }
0x80: {  	_ =	shalt  }
0x81: {  	_ =	shalt  }
0x82: {  	_ =	shalt  }
0x83: {  	_ =	shalt  }
0x84: {  	_ =	shalt  }
0x85: {  	_ =	shalt  }
0x86: {  	_ =	shalt  }
0x87: {  	_ =	shalt  }
.Lfunc_end0:
.L_simem_size_0:
called_computation_lowered:
.L_overlay_start_0:
0x88: {  	s2 =	sld [smem:$0x3FD9]  }
0x89: {  	s3 =	sld [smem:$0x3FFE];
	_ =	sdelay $0x1  }
0x8a: {  	s1 =	srdreg.scid  }
0x8b: {  	s0 =	sand.u32 $0x1, s1  }
0x8c: {  	s16 =	sshll.u32 s0, $0xA;
	s2 =	sadd.s32 s3, s2  }
0x8d: {  	s2 =	sadd.s32 s2, s16  }
0x8e: {  	[smem:$0x3FA5] =	sst s2  }
0x8f: {  	_ = 	snop  }
0x90: {  	(tm) =	ssettm $0x1  }
0x91: {  	s17 =	sld [smem:$0x3FFB];
	_ =	sdelay $0x3  }
0x92: {  	_ =	strace s17  }
0x93: {  	s2 =	sld [smem:$0x3FFC];
	_ =	sdelay $0x3  }
0x94: {  	_ =	strace s2  }
0x95: {  	s2 =	sld [smem:$0x3FFD];
	_ =	sdelay $0x3  }
0x96: {  	_ =	strace s2  }
0x97: {  	_ =	strace $0x8FFFFFFF  }
0x98: {  	s18 =	sld [smem:$0x3FDB];
	_ =	sdelay $0x1  }
0x99: {  	s19 =	simm.s32 $_scs_section_size  }
0x9a: {  	s4 =	simm.s32 $_size__tile_overlayer_lowered;
	s5 =	simm.s32 $_tile_overlayer_lowered  }
0x9b: {  	s22 =	simm.s32 $0x1BFF;
	s21 =	sshll.u32 s5, $0x1;
	s2 =	sadd.s32 s19, s18  }
0x9c: {  	s6 =	simm.s32 $0x0;
	s20 =	sshll.u32 s4, $0x1;
	s4 =	sadd.s32 s21, s2  }
0x9d: {  	[timem:s6], [sflag:s22] =	dma.local [hbm:s4], s20  }
0x9e: {  	_ =	swait.ge [sflag:s22], s20  }
0x9f: {  	s3 =	ssub.s32 $0x0, s20;
	[sflag:s22] =	ssyncset.done $0x0  }
0xa0: {  	[sflag:s22] =	ssyncadd.s32 s3;
	_ =	sdelay $0x1  }
0xa1: {  	s23 =	simm.s32 $0x1B8B  }
0xa2: {  	_ =	swait.ge [sflag:s23], $0x1  }
0xa3: {  	[sflag:s23] =	ssyncset.done $0x0  }
0xa4: {  	s25 =	simm.s32 $0x1B8E;
	s24 =	sld [smem:$0x3FFE];
	[sflag:s23] =	ssyncadd.s32 $0xFFFFFFFF  }
0xa5: {  	s26 =	simm.s32 $execute0_lowered;
	[smem:$0x3FD2] =	sst s25  }
0xa6: {  	s4 =	sshll.u32 s26, $0x1;
	_ =	strace $0x80000046;
	[dreg:$0x1] =	wrdreg $0xFFFFFFFF  }
0xa7: {  	s28 =	simm.s32 $_size_execute0_lowered;
	s2 =	sadd.s32 s2, s4;
	[dreg:$0x0] =	wrdreg $0x0  }
0xa8: {  	s4 =	sshll.u32 s28, $0x1;
	[dreg:$0x2] =	wrdreg s2  }
0xa9: {  	[dreg:$0x3] =	wrdreg s4  }
0xaa: {  	[dreg:$0x4] =	wrdreg $0xC0  }
0xab: {  	_ =	task [dreg:s6], $0x5FFFF  }
0xac: {  	[dreg:$0x1] =	wrdreg $0xFFFFFFFF  }
0xad: {  	[dreg:$0x0] =	wrdreg $0x60  }
0xae: {  	[dreg:$0x2] =	wrdreg s24  }
0xaf: {  	[dreg:$0x3] =	wrdreg $0x90000  }
0xb0: {  	[dreg:$0x4] =	wrdreg $0x9  }
0xb1: {  	_ =	task.clear_ibuf [dreg:s6], $0x5FFFF;
	_ =	strace $0x90000046  }
0xb2: {  	s29 =	simm.s32 $0x9;
	_ =	strace $0x80000048  }
0xb3: {  	_ =	swait.ge [sflag:s29], $0x1  }
0xb4: {  	[sflag:s29] =	ssyncadd.s32 $0xFFFFFFFF  }
0xb5: {  	_ =	strace $0x90000048  }
0xb6: {  	_ =	sfence  }
0xb7: {  	s30 =	sld [smem:$0x0];
	_ =	sdelay $0x2  }
0xb8: {  	s31 =	sshll.u32 s1, $0xD;
	s1 =	sshrl.u32 s1, $0x2  }
0xb9: {  	s3 =	sand.u32 $0x4000, s31;
	s1 =	sadd.s32 s1, s30  }
0xba: {  	s0 =	sor.u32 s3, s0;
	s1 =	sshll.u32 s1, $0x11  }
0xbb: {  	s0 =	sor.u32 s1, s0  }
0xbc: {  	s0 =	sadd.s32 $0x8F2B, s0  }
0xbd: {  	[sflag:s0] =	ssyncadd.remote.s32 $0x1  }
0xbe: {  	_ =	sfence.sel $0xFFFF  }
0xbf: {  	[dreg:$0x0] =	wrdreg $0xFFFFFFFF;
	(pc) =	sbr.abs _section_cstart, $3  }
0xc0: {  	[dreg:$0x1] =	wrdreg $0xFFFFFFFF  }
0xc1: {  	_ =	task.clear_ibuf [dreg:s6], $0x2FFFF;
	_ =	strace $0x9FFFFFFF  }
0xc2: {  	(tm) =	ssettm $0x7FFFFFFF  }
0xc3: {  	_ =	shalt  }
tec
execute0_lowered:
.L_overlay_start_1:
0x0: {  	(tag) =	ssettag $0x1  }
0x1: {  	s5 =	rddreg [dreg:$0x0]  }
0x2: {  	s0 =	srdreg.scid;
	s2 =	rddreg [dreg:$0x1];
	s3 =	simm.s32 $0x0  }
0x3: {  	s14 =	simm.s32 $0x80;
	s4 =	sand.u32 $0x1, s0;
	s0 =	stileid.u32  }
0x4: {  	s15 =	simm.s32 $0x5000;
	s16 =	simm.s32 $0x0;
	s7 =	smul.u32 $0x14000, s0  }
0x5: {  	[smem:$0x7FF] =	sst s3;
	s1 =	sshll.u32 s4, $0x4;
	s8 =	smul.u32 $0x280000, s4  }
0x6: {  	s4 =	ssub.s32 $0x2, s4;
	s30 =	smul.u32 $0x50000, s0;
	s12 =	sshll.u32 s0, $0x6  }
0x7: {  	s1 =	sor.u32 s0, s1;
	s10 =	sshrl.u32 s4, $0x1;
	s12 =	sor.u32 $0x1C01, s12  }
0x8: {  	s6 =	smul.u32 $0x500, s1;
	s1 =	rddreg [dreg:$0x2];
	_ =	strace $0x80000047  }
0x9: {  	s9 =	sshrl.u32 s7, $0x3;
	s7 =	sadd.s32 s7, s8;
	s10 =	ssub.s32 s4, s10  }
0xa: {  	s31 =	sshrl.u32 s30, $0x2;
	s9 =	sadd.s32 s9, s5;
	s7 =	sshrl.u32 s7, $0x3  }
0xb: {  	s13 =	sadd.s32 s31, s2;
	s6 =	sadd.s32 s6, s5;
	s11 =	sadd.s32 s7, s5  }
0xc: {  	s13 =	sshrl.u32 s13, $0x3;
	s4 =	sadd.s32 $0xFC00, s6;
	s5 =	sadd.s32 $0x5C00, s6  }
0xd: {  	s6 =	sadd.s32 $0x19C00, s9;
	s7 =	sadd.s32 $0x41C00, s11;
	s8 =	sadd.s32 $0x69C00, s11  }
0xe: {  	v0 =	vimm.f32 $1.000000000e+00;
	s9 =	smax.u32 s10, $0x1;
	s10 =	simm.s32 $0x1;
	s11 =	simm.s32 $0x2800  }
.LBB2_1:
0xf: {  	s17 =	sand.u32 $0xFE00, s3  }
0x10: {  	s18 =	sand.u32 $0x70, s3;
	s19 =	sshrl.u32 s17, $0x2  }
0x11: {  	s17 =	simm.s32 $0x40;
	s19 =	sor.u32 s18, s19;
	s18 =	simm.s32 $0x0  }
.LBB2_2:
0x12: {  	p0 =	sne.s32 s17, $0xFFC0  }
0x13: {  	[tilespmem:s19+$0x5000] =	vst v0;
	s18 =	sadd.s32 $0x10, s18;
	s19 =	smov.u32 s17;
	s17 =	sadd.s32 $0x40, s17  }
.Ltmp0:
0x14: {  	(pc) =	sbr.rel @p0 .LBB2_2-.Ltmp0, $4  }
0x15: {  	_ = 	snop  }
0x16: {  	s19 =	sand.u32 $0xFE00, s19  }
0x17: {  	s20 =	sand.u32 $0x70, s18;
	s19 =	sshrl.u32 s19, $0x2  }
0x18: {  	s19 =	sor.u32 s20, s19  }
0x19: {  	[tilespmem:s19+$0x5000] =	vst v0;
	s17 =	simm.s32 $0x0  }
0x1a: {  	[tilespmem:s17], [sflag:$0x1] =	stream.linear.gather [hbm4b:s4+s17], $0x2800, $0x38;
	[tilespmem:$0x1D000] =	vst v63  }
0x1b: {  	_ =	swait.ge [sflag:s10], $0x2800  }
0x1c: {  	[sflag:s10] =	ssyncset.done $0x0  }
0x1d: {  	[sflag:s10] =	ssyncadd.s32 $0xFFFFD800  }
0x1e: {  	[tilespmem:s11], [sflag:$0x1] =	stream.linear.gather [hbm4b:s5+s17], $0x2800, $0x38;
	[tilespmem:$0x1D000] =	vst v63  }
0x1f: {  	_ =	swait.ge [sflag:s10], $0x2800  }
0x20: {  	[sflag:s10] =	ssyncset.done $0x0  }
0x21: {  	[sflag:s10] =	ssyncadd.s32 $0xFFFFD800  }
0x22: {  	[spmem:s13], [sflag:s12] =	dma.local [hbm:s6], $0x2800  }
0x23: {  	_ =	swait.ge [sflag:s10], $0x2800  }
0x24: {  	[sflag:s10] =	ssyncset.done $0x0  }
0x25: {  	[sflag:s10] =	ssyncadd.s32 $0xFFFFD800  }
0x26: {  	s31 =	simm.s32 $0x0;
	[bflag:$0x0] =	sbarrier.arrive $0xFFFF  }
0x27: {  	[spmem:s2] =	stream.indirect.scatter.add.f32 [tilespmem:s15], [sflag:$0x1], $0x80, s31, s14, $0xb8;
	[tilespmem:$0x1D000] =	vst v63  }
0x28: {  	_ =	swait.ge [sflag:s10], $0x4000  }
0x29: {  	s17 =	simm.s32 $0x200;
	[sflag:s10] =	ssyncset.done $0x0  }
.LBB2_4:
0x2a: {  	s18 =	sshra.s32 s17, $0x2;
	[sflag:s10] =	ssyncadd.s32 $0xFFFFC000;
	p0 =	sne.s32 s17, $0x9E00  }
0x2b: {  	[spmem:s2] =	stream.indirect.scatter.add.f32 [tilespmem:s15], [sflag:$0x1], $0x80, s18, s14, $0xb8;
	[tilespmem:$0x1D000] =	vst v63  }
.Ltmp1:
0x2c: {  	_ = 	snop;
	(pc) =	sbr.rel @p0 .LBB2_4-.Ltmp1, $4  }
0x2d: {  	_ = 	snop  }
0x2e: {  	s17 =	sadd.s32 $0x200, s17  }
0x2f: {  	_ =	swait.ge [sflag:s10], $0x4000  }
0x30: {  	[sflag:s10] =	ssyncset.done $0x0  }
0x31: {  	[sflag:s10] =	ssyncadd.s32 $0xFFFFC000  }
0x32: {  	[bflag:$0x0] =	sbarrier.arrive $0xFFFF  }
0x33: {  	[hbm:s7], [sflag:s12] =	dma.local [spmem:s13], $0x2800  }
0x34: {  	_ =	swait.ge [sflag:s10], $0x2800  }
0x35: {  	[sflag:s10] =	ssyncset.done $0x0  }
0x36: {  	[sflag:s10] =	ssyncadd.s32 $0xFFFFD800  }
0x37: {  	[spmem:s13], [sflag:s12] =	dma.local [hbm:s6], $0x2800  }
0x38: {  	_ =	swait.ge [sflag:s10], $0x2800  }
0x39: {  	[sflag:s10] =	ssyncset.done $0x0  }
0x3a: {  	[sflag:s10] =	ssyncadd.s32 $0xFFFFD800  }
0x3b: {  	s17 =	simm.s32 $0x2800;
	[bflag:$0x0] =	sbarrier.arrive $0xFFFF  }
0x3c: {  	[spmem:s2] =	stream.indirect.scatter.add.f32 [tilespmem:s15], [sflag:$0x1], $0x80, s17, s14, $0xb8;
	[tilespmem:$0x1D000] =	vst v63  }
0x3d: {  	s17 =	simm.s32 $0x200;
	_ =	swait.ge [sflag:s10], $0x4000  }
.LBB2_6:
0x3e: {  	s18 =	sshra.s32 s17, $0x2;
	[sflag:s10] =	ssyncset.done $0x0;
	p0 =	sne.s32 s17, $0x9E00  }
.Ltmp2:
0x3f: {  	s18 =	sadd.s32 $0x2800, s18;
	[sflag:s10] =	ssyncadd.s32 $0xFFFFC000;
	(pc) =	sbr.rel @p0 .LBB2_6-.Ltmp2, $3  }
0x40: {  	[spmem:s2] =	stream.indirect.scatter.add.f32 [tilespmem:s15], [sflag:$0x1], $0x80, s18, s14, $0xb8;
	[tilespmem:$0x1D000] =	vst v63  }
0x41: {  	s17 =	sadd.s32 $0x200, s17;
	_ =	sdelay $0x1  }
0x42: {  	_ =	swait.ge [sflag:s10], $0x4000  }
0x43: {  	[sflag:s10] =	ssyncset.done $0x0;
	s16 =	sadd.s32 $0x1, s16  }
0x44: {  	[sflag:s10] =	ssyncadd.s32 $0xFFFFC000;
	p0 =	sne.s32 s16, s9  }
.Ltmp3:
0x45: {  	[bflag:$0x0] =	sbarrier.arrive $0xFFFF;
	(pc) =	sbr.rel @p0 .LBB2_1-.Ltmp3, $4  }
0x46: {  	[hbm:s8], [sflag:s12] =	dma.local [spmem:s13], $0x2800  }
0x47: {  	_ =	swait.ge [sflag:s10], $0x2800  }
0x48: {  	[sflag:s10] =	ssyncset.done $0x0  }
0x49: {  	[sflag:s10] =	ssyncadd.s32 $0xFFFFD800  }
0x4a: {  	_ =	sfence.sel $0x180000  }
0x4b: {  	[bflag:$0x0] =	sbarrier.arrive $0xFFFF  }
0x4c: {  	p0 =	sne.s32 s0, $0x0;
	_ =	strace $0x90000047  }
0x4d: {  	s0 =	sadd.s32 @!p0 $0x100000, s1;
	[bflag:$0x2] =	sbarrier.arrive $0xFFFF  }
0x4e: {  	[sflag:s0] =	ssyncadd.tile.s32 @!p0 $0x1;
	_ =	shalt  }
.Lfunc_end2:
_tile_overlayer_lowered:
.L_overlay_start_2:
0x4f: {  	(tag) =	ssettag $0x2  }
0x50: {  	s0 =	rddreg [dreg:$0x0];
	s2 =	stileid.u32  }
0x51: {  	s1 =	rddreg [dreg:$0x1];
	p0 =	sne.s32 s2, $0x0  }
0x52: {  	s3 =	rddreg [dreg:$0x2];
	[bflag:$0x3] =	sbarrier.arrive $0xFFFF;
	s2 =	simm.s32 @!p0 $0x1C01  }
0x53: {  	[timem:s3], [sflag:s2] =	dma.local @!p0 [hbm:s0], s1  }
0x54: {  	s0 =	simm.s32 @!p0 $0x1  }
0x55: {  	_ =	swait.ge @!p0 [sflag:s0], s1  }
0x56: {  	s1 =	ssub.s32 @!p0 $0x0, s1;
	[sflag:s0] =	ssyncset.done @!p0 $0x0  }
0x57: {  	[sflag:s0] =	ssyncadd.s32 @!p0 s1  }
0x58: {  	[bflag:$0x3] =	sbarrier.arrive $0xFFFF  }
0x59: {  	_ =	shalt  }

// kernel: kernel.15.cloned.1.call-start
scs
__scs_entry_jumppad:
0x0: {  	(pc) =	sbr.rel $0x88, $3  }
0x1: {  	(tag) =	ssettag $0x0;
	lr =	simm.s32 $0x1  }
0x2: {  	[smem:$0x3F7E] =	sst lr;
	_ =	strace $0xD0000000  }
0x3: {  	_ = 	snop  }
0x4: {  	_ = 	snop  }
0x5: {  	_ = 	snop  }
0x6: {  	_ = 	snop  }
0x7: {  	_ = 	snop  }
__scs_overlays_trampoline_lowered:
0x8: {  	[smem:$0x3F8D] =	sst s0  }
0x9: {  	[smem:$0x3F8E] =	sst s1  }
0xa: {  	[smem:$0x3F8F] =	sst s2  }
0xb: {  	[smem:$0x3F90] =	sst s3  }
0xc: {  	[smem:$0x3F91] =	sst s4  }
0xd: {  	[smem:$0x3F92] =	sst s5  }
0xe: {  	[smem:$0x3F93] =	sst s6  }
0xf: {  	[smem:$0x3F94] =	sst s7  }
0x10: {  	[smem:$0x3F95] =	sst s8  }
0x11: {  	[smem:$0x3F96] =	sst s9;
	s0 =	simm.s32 @!p0 $0x0  }
0x12: {  	s1 =	sld [smem:$0x3F7C];
	s0 =	simm.s32 @p0 $0x1  }
0x13: {  	[smem:$0x3F97] =	sst s0;
	s0 =	simm.s32 @!p1 $0x0  }
0x14: {  	s2 =	sld [smem:$0x3F7B];
	s0 =	simm.s32 @p1 $0x1  }
0x15: {  	[smem:$0x3F98] =	sst s0;
	s0 =	simm.s32 @!p2 $0x0  }
0x16: {  	s3 =	sld [smem:$0x3FDB];
	s0 =	simm.s32 @p2 $0x1  }
0x17: {  	s4 =	simm.s32 $0x1BF5;
	[smem:$0x3F9A] =	sst s0  }
0x18: {  	s0 =	sld [smem:$0x3F7D];
	_ =	swait.ge [sflag:s4], $0x0  }
0x19: {  	s7 =	sld [smem:$0x3F7E]  }
0x1a: {  	s8 =	sadd.s32 $0xFFFFE003, lr  }
0x1b: {  	s9 =	sadd.s32 $0xFFFFFEF7, lr;
	s5 =	simm.s32 $0xFFFFFFFF;
	p2 =	slt.u32 s8, $0xFFFFF086  }
0x1c: {  	p1 =	slt.u32 s9, $0xF7A;
	s5 =	simm.s32 @!p2 $0x0  }
0x1d: {  	s5 =	simm.s32 @p1 $0x1;
	p0 =	seq.s32 s7, s2  }
0x1e: {  	s7 =	smul.u32 @!p0 $0xF7A, s2;
	p2 =	seq.s32 @!p0 s5, $0x0  }
0x1f: {  	s9 =	smul.u32 $0xF7A, s1;
	s8 =	simm.s32 @!p0 $0x1BF5;
	p2 =	por !p2, p0  }
0x20: {  	[sflag:s8] =	ssyncset.s32 @!p0 $0xFFFFF086;
	s6 =	sadd.s32 @!p0 s3, s7;
	s7 =	simm.s32 @!p0 $0x108  }
0x21: {  	s3 =	sadd.s32 s3, s9;
	s6 =	sadd.s32 @!p0 $0x88, s6;
	s7 =	simm.s32 @p2 $0x1082  }
0x22: {  	[simem:s7], [sflag:s8] =	dma.local @!p0 [hbm:s6], $0xF7A  }
0x23: {  	s9 =	sor.u32 $0xD0000000, s2;
	s6 =	simm.s32 $0x108;
	_ =	swait.ge @!p0 [sflag:s8], $0x0  }
0x24: {  	s3 =	sadd.s32 $0x88, s3;
	s6 =	simm.s32 @!p1 $0x1082;
	[sflag:s4] =	ssyncset.s32 $0xFFFFF086  }
0x25: {  	[simem:s6], [sflag:s4] =	dma.local [hbm:s3], $0xF7A  }
0x26: {  	[smem:$0x3F7E] =	sst s1;
	(tag) =	ssettag s2;
	_ =	strace s9  }
0x27: {  	s1 =	sld [smem:$0x3F8E]  }
0x28: {  	s2 =	sld [smem:$0x3F8F]  }
0x29: {  	s4 =	sld [smem:$0x3F91]  }
0x2a: {  	p0 =	seq.s32 s5, $0x0;
	s5 =	sld [smem:$0x3F92]  }
0x2b: {  	s6 =	sld [smem:$0x3F93]  }
0x2c: {  	s7 =	sld [smem:$0x3F94]  }
0x2d: {  	s3 =	simm.s32 $0x108;
	s8 =	sld [smem:$0x3F95]  }
0x2e: {  	s3 =	simm.s32 @!p0 $0x1082;
	s9 =	sld [smem:$0x3F96]  }
0x2f: {  	lr =	sadd.s32 s0, s3;
	s0 =	sld [smem:$0x3F8D]  }
0x30: {  	s3 =	sld [smem:$0x3F90]  }
0x31: {  	[smem:$0x3F99] =	sst s10  }
0x32: {  	s10 =	sld [smem:$0x3F97];
	_ =	sdelay $0x3  }
0x33: {  	p0 =	seq.s32 s10, $0x1;
	s10 =	sld [smem:$0x3F99];
	_ =	sdelay $0x3  }
0x34: {  	[smem:$0x3F99] =	sst s10  }
0x35: {  	s10 =	sld [smem:$0x3F98];
	_ =	sdelay $0x3  }
0x36: {  	p1 =	seq.s32 s10, $0x1;
	s10 =	sld [smem:$0x3F99];
	_ =	sdelay $0x3  }
0x37: {  	[smem:$0x3F99] =	sst s10  }
0x38: {  	s10 =	sld [smem:$0x3F9A]  }
0x39: {  	_ = 	snop;
	(pc) =	sbr.ind lr, $3  }
0x3a: {  	_ = 	snop  }
0x3b: {  	_ = 	snop  }
0x3c: {  	p2 =	seq.s32 s10, $0x1;
	s10 =	sld [smem:$0x3F99]  }
0x3d: {  	_ =	shalt  }
0x3e: {  	_ =	shalt  }
0x3f: {  	_ =	shalt  }
0x40: {  	_ =	shalt  }
0x41: {  	_ =	shalt  }
0x42: {  	_ =	shalt  }
0x43: {  	_ =	shalt  }
0x44: {  	_ =	shalt  }
0x45: {  	_ =	shalt  }
0x46: {  	_ =	shalt  }
0x47: {  	_ =	shalt  }
0x48: {  	_ =	shalt  }
0x49: {  	_ =	shalt  }
0x4a: {  	_ =	shalt  }
0x4b: {  	_ =	shalt  }
0x4c: {  	_ =	shalt  }
0x4d: {  	_ =	shalt  }
0x4e: {  	_ =	shalt  }
0x4f: {  	_ =	shalt  }
0x50: {  	_ =	shalt  }
0x51: {  	_ =	shalt  }
0x52: {  	_ =	shalt  }
0x53: {  	_ =	shalt  }
0x54: {  	_ =	shalt  }
0x55: {  	_ =	shalt  }
0x56: {  	_ =	shalt  }
0x57: {  	_ =	shalt  }
0x58: {  	_ =	shalt  }
0x59: {  	_ =	shalt  }
0x5a: {  	_ =	shalt  }
0x5b: {  	_ =	shalt  }
0x5c: {  	_ =	shalt  }
0x5d: {  	_ =	shalt  }
0x5e: {  	_ =	shalt  }
0x5f: {  	_ =	shalt  }
0x60: {  	_ =	shalt  }
0x61: {  	_ =	shalt  }
0x62: {  	_ =	shalt  }
0x63: {  	_ =	shalt  }
0x64: {  	_ =	shalt  }
0x65: {  	_ =	shalt  }
0x66: {  	_ =	shalt  }
0x67: {  	_ =	shalt  }
0x68: {  	_ =	shalt  }
0x69: {  	_ =	shalt  }
0x6a: {  	_ =	shalt  }
0x6b: {  	_ =	shalt  }
0x6c: {  	_ =	shalt  }
0x6d: {  	_ =	shalt  }
0x6e: {  	_ =	shalt  }
0x6f: {  	_ =	shalt  }
0x70: {  	_ =	shalt  }
0x71: {  	_ =	shalt  }
0x72: {  	_ =	shalt  }
0x73: {  	_ =	shalt  }
0x74: {  	_ =	shalt  }
0x75: {  	_ =	shalt  }
0x76: {  	_ =	shalt  }
0x77: {  	_ =	shalt  }
0x78: {  	_ =	shalt  }
0x79: {  	_ =	shalt  }
0x7a: {  	_ =	shalt  }
0x7b: {  	_ =	shalt  }
0x7c: {  	_ =	shalt  }
0x7d: {  	_ =	shalt  }
0x7e: {  	_ =	shalt  }
0x7f: {  	_ =	shalt  }
0x80: {  	_ =	shalt  }
0x81: {  	_ =	shalt  }
0x82: {  	_ =	shalt  }
0x83: {  	_ =	shalt  }
0x84: {  	_ =	shalt  }
0x85: {  	_ =	shalt  }
0x86: {  	_ =	shalt  }
0x87: {  	_ =	shalt  }
.Lfunc_end0:
.L_simem_size_0:
called_computation.1_lowered:
.L_overlay_start_0:
0x88: {  	s2 =	sld [smem:$0x3FD9]  }
0x89: {  	s3 =	sld [smem:$0x3FFE];
	_ =	sdelay $0x1  }
0x8a: {  	s1 =	srdreg.scid  }
0x8b: {  	s0 =	sand.u32 $0x1, s1  }
0x8c: {  	s16 =	sshll.u32 s0, $0xA;
	s2 =	sadd.s32 s3, s2  }
0x8d: {  	s2 =	sadd.s32 s2, s16  }
0x8e: {  	[smem:$0x3FA5] =	sst s2  }
0x8f: {  	_ = 	snop  }
0x90: {  	(tm) =	ssettm $0x1  }
0x91: {  	s17 =	sld [smem:$0x3FFB];
	_ =	sdelay $0x3  }
0x92: {  	_ =	strace s17  }
0x93: {  	s2 =	sld [smem:$0x3FFC];
	_ =	sdelay $0x3  }
0x94: {  	_ =	strace s2  }
0x95: {  	s2 =	sld [smem:$0x3FFD];
	_ =	sdelay $0x3  }
0x96: {  	_ =	strace s2  }
0x97: {  	_ =	strace $0x8FFFFFFF  }
0x98: {  	s18 =	sld [smem:$0x3FDB];
	_ =	sdelay $0x1  }
0x99: {  	s19 =	simm.s32 $_scs_section_size  }
0x9a: {  	s4 =	simm.s32 $_size__tile_overlayer_lowered;
	s5 =	simm.s32 $_tile_overlayer_lowered  }
0x9b: {  	s22 =	simm.s32 $0x1BFF;
	s21 =	sshll.u32 s5, $0x1;
	s2 =	sadd.s32 s19, s18  }
0x9c: {  	s6 =	simm.s32 $0x0;
	s20 =	sshll.u32 s4, $0x1;
	s4 =	sadd.s32 s21, s2  }
0x9d: {  	[timem:s6], [sflag:s22] =	dma.local [hbm:s4], s20  }
0x9e: {  	_ =	swait.ge [sflag:s22], s20  }
0x9f: {  	s3 =	ssub.s32 $0x0, s20;
	[sflag:s22] =	ssyncset.done $0x0  }
0xa0: {  	[sflag:s22] =	ssyncadd.s32 s3;
	_ =	sdelay $0x1  }
0xa1: {  	s23 =	simm.s32 $0x1B8B  }
0xa2: {  	_ =	swait.ge [sflag:s23], $0x1  }
0xa3: {  	[sflag:s23] =	ssyncset.done $0x0  }
0xa4: {  	s25 =	simm.s32 $0x1B8E;
	s24 =	sld [smem:$0x3FFE];
	[sflag:s23] =	ssyncadd.s32 $0xFFFFFFFF  }
0xa5: {  	s26 =	simm.s32 $execute0_lowered;
	[smem:$0x3FD2] =	sst s25  }
0xa6: {  	s4 =	sshll.u32 s26, $0x1;
	_ =	strace $0x80000049;
	[dreg:$0x1] =	wrdreg $0xFFFFFFFF  }
0xa7: {  	s28 =	simm.s32 $_size_execute0_lowered;
	s2 =	sadd.s32 s2, s4;
	[dreg:$0x0] =	wrdreg $0x0  }
0xa8: {  	s4 =	sshll.u32 s28, $0x1;
	[dreg:$0x2] =	wrdreg s2  }
0xa9: {  	[dreg:$0x3] =	wrdreg s4  }
0xaa: {  	[dreg:$0x4] =	wrdreg $0xC0  }
0xab: {  	_ =	task [dreg:s6], $0x5FFFF  }
0xac: {  	[dreg:$0x1] =	wrdreg $0xFFFFFFFF  }
0xad: {  	[dreg:$0x0] =	wrdreg $0x60  }
0xae: {  	[dreg:$0x2] =	wrdreg s24  }
0xaf: {  	[dreg:$0x3] =	wrdreg $0x90000  }
0xb0: {  	[dreg:$0x4] =	wrdreg $0x9  }
0xb1: {  	_ =	task.clear_ibuf [dreg:s6], $0x5FFFF;
	_ =	strace $0x90000049  }
0xb2: {  	s29 =	simm.s32 $0x9;
	_ =	strace $0x8000004B  }
0xb3: {  	_ =	swait.ge [sflag:s29], $0x1  }
0xb4: {  	[sflag:s29] =	ssyncadd.s32 $0xFFFFFFFF  }
0xb5: {  	_ =	strace $0x9000004B  }
0xb6: {  	_ =	sfence  }
0xb7: {  	s30 =	sld [smem:$0x0];
	_ =	sdelay $0x2  }
0xb8: {  	s31 =	sshll.u32 s1, $0xD;
	s1 =	sshrl.u32 s1, $0x2  }
0xb9: {  	s3 =	sand.u32 $0x4000, s31;
	s1 =	sadd.s32 s1, s30  }
0xba: {  	s0 =	sor.u32 s3, s0;
	s1 =	sshll.u32 s1, $0x11  }
0xbb: {  	s0 =	sor.u32 s1, s0  }
0xbc: {  	s0 =	sadd.s32 $0x8F2B, s0  }
0xbd: {  	[sflag:s0] =	ssyncadd.remote.s32 $0x1  }
0xbe: {  	_ =	sfence.sel $0xFFFF  }
0xbf: {  	[dreg:$0x0] =	wrdreg $0xFFFFFFFF;
	(pc) =	sbr.abs _section_cstart, $3  }
0xc0: {  	[dreg:$0x1] =	wrdreg $0xFFFFFFFF  }
0xc1: {  	_ =	task.clear_ibuf [dreg:s6], $0x2FFFF;
	_ =	strace $0x9FFFFFFF  }
0xc2: {  	(tm) =	ssettm $0x7FFFFFFF  }
0xc3: {  	_ =	shalt  }
tec
execute0_lowered:
.L_overlay_start_1:
0x0: {  	(tag) =	ssettag $0x1  }
0x1: {  	s0 =	srdreg.scid;
	s6 =	rddreg [dreg:$0x0]  }
0x2: {  	s2 =	rddreg [dreg:$0x1];
	s3 =	simm.s32 $0x0;
	s14 =	simm.s32 $0x80  }
0x3: {  	s15 =	simm.s32 $0x5000;
	s5 =	sand.u32 $0x1, s0;
	s0 =	stileid.u32  }
0x4: {  	s16 =	simm.s32 $0x1;
	s17 =	simm.s32 $0x0;
	s8 =	smul.u32 $0x14000, s0  }
0x5: {  	[smem:$0x7FF] =	sst s3;
	s1 =	sshll.u32 s5, $0x4;
	s9 =	smul.u32 $0x140000, s5  }
0x6: {  	s5 =	ssub.s32 $0x2, s5;
	s29 =	smul.u32 $0x50000, s0;
	s31 =	sshll.u32 s0, $0x6  }
0x7: {  	s4 =	sor.u32 s0, s1;
	s1 =	rddreg [dreg:$0x2];
	_ =	strace $0x8000004A  }
0x8: {  	s11 =	sshrl.u32 s5, $0x1;
	s7 =	smul.u32 $0x500, s4;
	s4 =	sadd.s32 $0x41C00, s6  }
0x9: {  	s28 =	sshrl.u32 s8, $0x3;
	s8 =	sadd.s32 s8, s9;
	s30 =	sshrl.u32 s29, $0x2  }
0xa: {  	s11 =	ssub.s32 s5, s11;
	s8 =	sshrl.u32 s8, $0x3;
	s13 =	sadd.s32 s30, s2  }
0xb: {  	s10 =	sadd.s32 s7, s6;
	s7 =	sadd.s32 s28, s6;
	s12 =	sadd.s32 s8, s6  }
0xc: {  	s6 =	sor.u32 $0x1C02, s31;
	s5 =	sadd.s32 $0x19C00, s7;
	s7 =	sadd.s32 $0xFC00, s10  }
0xd: {  	s8 =	sadd.s32 $0x5C00, s10;
	s9 =	sadd.s32 $0x91C00, s12;
	s10 =	smax.u32 s11, $0x1  }
0xe: {  	s11 =	sshrl.u32 s13, $0x3;
	s12 =	simm.s32 $0x2;
	s13 =	simm.s32 $0x2800  }
.LBB2_1:
0xf: {  	[spmem:s11], [sflag:s6] =	dma.local [hbm:s5], $0x2800  }
0x10: {  	_ =	swait.ge [sflag:s12], $0x2800  }
0x11: {  	[sflag:s12] =	ssyncset.done $0x0  }
0x12: {  	[sflag:s12] =	ssyncadd.s32 $0xFFFFD800  }
0x13: {  	[tilespmem:s3], [sflag:$0x2] =	stream.linear.gather [hbm4b:s7+s3], $0x2800, $0x38;
	[tilespmem:$0x1D000] =	vst v63  }
0x14: {  	_ =	swait.ge [sflag:s12], $0x2800  }
0x15: {  	[sflag:s12] =	ssyncset.done $0x0  }
0x16: {  	[sflag:s12] =	ssyncadd.s32 $0xFFFFD800  }
0x17: {  	[tilespmem:s13], [sflag:$0x2] =	stream.linear.gather [hbm4b:s8+s3], $0x2800, $0x38;
	[tilespmem:$0x1D000] =	vst v63  }
0x18: {  	_ =	swait.ge [sflag:s12], $0x2800  }
0x19: {  	[sflag:s12] =	ssyncset.done $0x0  }
0x1a: {  	[sflag:s12] =	ssyncadd.s32 $0xFFFFD800  }
0x1b: {  	s18 =	simm.s32 $0x0;
	[bflag:$0x0] =	sbarrier.arrive $0xFFFF  }
0x1c: {  	[tilespmem:s15], [sflag:$0x1] =	stream.indirect.gather [hbm4b:s4+s14], $0x80, s18, s14, $0xb8;
	[tilespmem:$0x1D000] =	vst v63  }
0x1d: {  	_ =	swait.ge [sflag:s16], $0x4000  }
0x1e: {  	[sflag:s16] =	ssyncset.done $0x0  }
0x1f: {  	s31 =	simm.s32 $0x2800;
	[sflag:s16] =	ssyncadd.s32 $0xFFFFC000  }
0x20: {  	[spmem:s2] =	stream.indirect.scatter.add.f32 [tilespmem:s15], [sflag:$0x2], $0x80, s31, s14, $0xb8;
	[tilespmem:$0x1D000] =	vst v63  }
0x21: {  	_ =	swait.ge [sflag:s12], $0x4000  }
0x22: {  	s19 =	simm.s32 $0x400;
	s18 =	simm.s32 $0x200;
	[sflag:s12] =	ssyncset.done $0x0  }
.LBB2_2:
0x23: {  	s20 =	sshra.s32 s18, $0x2  }
0x24: {  	[sflag:s12] =	ssyncadd.s32 $0xFFFFC000;
	s18 =	smov.u32 s19;
	s21 =	sadd.s32 $0x200, s19  }
0x25: {  	[tilespmem:s15], [sflag:$0x1] =	stream.indirect.gather [hbm4b:s4+s14], $0x80, s20, s14, $0xb8;
	[tilespmem:$0x1D000] =	vst v63  }
0x26: {  	p0 =	sne.s32 s19, $0x9E00;
	_ =	swait.ge [sflag:s16], $0x4000  }
.Ltmp0:
0x27: {  	[sflag:s16] =	ssyncset.done $0x0;
	(pc) =	sbr.rel @p0 .LBB2_2-.Ltmp0, $4  }
0x28: {  	s19 =	sadd.s32 $0x2800, s20;
	[sflag:s16] =	ssyncadd.s32 $0xFFFFC000  }
0x29: {  	[spmem:s2] =	stream.indirect.scatter.add.f32 [tilespmem:s15], [sflag:$0x2], $0x80, s19, s14, $0xb8;
	[tilespmem:$0x1D000] =	vst v63  }
0x2a: {  	_ =	swait.ge [sflag:s12], $0x4000  }
0x2b: {  	s19 =	smov.u32 s21;
	[sflag:s12] =	ssyncset.done $0x0  }
0x2c: {  	s18 =	sshra.s32 s18, $0x2;
	[sflag:s12] =	ssyncadd.s32 $0xFFFFC000  }
0x2d: {  	[tilespmem:s15], [sflag:$0x1] =	stream.indirect.gather [hbm4b:s4+s14], $0x80, s18, s14, $0xb8;
	[tilespmem:$0x1D000] =	vst v63  }
0x2e: {  	_ =	swait.ge [sflag:s16], $0x4000  }
0x2f: {  	[sflag:s16] =	ssyncset.done $0x0  }
0x30: {  	s18 =	sadd.s32 $0x2800, s18;
	[sflag:s16] =	ssyncadd.s32 $0xFFFFC000  }
0x31: {  	[spmem:s2] =	stream.indirect.scatter.add.f32 [tilespmem:s15], [sflag:$0x2], $0x80, s18, s14, $0xb8;
	[tilespmem:$0x1D000] =	vst v63  }
0x32: {  	_ =	swait.ge [sflag:s12], $0x4000  }
0x33: {  	s17 =	sadd.s32 $0x1, s17;
	[sflag:s12] =	ssyncset.done $0x0  }
0x34: {  	p0 =	sne.s32 s17, s10;
	[sflag:s12] =	ssyncadd.s32 $0xFFFFC000  }
.Ltmp1:
0x35: {  	[bflag:$0x0] =	sbarrier.arrive $0xFFFF;
	(pc) =	sbr.rel @p0 .LBB2_1-.Ltmp1, $4  }
0x36: {  	[hbm:s9], [sflag:s6] =	dma.local [spmem:s11], $0x2800  }
0x37: {  	_ =	swait.ge [sflag:s12], $0x2800  }
0x38: {  	[sflag:s12] =	ssyncset.done $0x0  }
0x39: {  	[sflag:s12] =	ssyncadd.s32 $0xFFFFD800  }
0x3a: {  	_ =	sfence.sel $0x180000  }
0x3b: {  	[bflag:$0x0] =	sbarrier.arrive $0xFFFF  }
0x3c: {  	p0 =	sne.s32 s0, $0x0;
	_ =	strace $0x9000004A  }
0x3d: {  	s0 =	sadd.s32 @!p0 $0x100000, s1;
	[bflag:$0x2] =	sbarrier.arrive $0xFFFF  }
0x3e: {  	[sflag:s0] =	ssyncadd.tile.s32 @!p0 $0x1;
	_ =	shalt  }
.Lfunc_end2:
_tile_overlayer_lowered:
.L_overlay_start_2:
0x3f: {  	(tag) =	ssettag $0x2  }
0x40: {  	s0 =	rddreg [dreg:$0x0];
	s2 =	stileid.u32  }
0x41: {  	s1 =	rddreg [dreg:$0x1];
	p0 =	sne.s32 s2, $0x0  }
0x42: {  	s3 =	rddreg [dreg:$0x2];
	[bflag:$0x3] =	sbarrier.arrive $0xFFFF;
	s2 =	simm.s32 @!p0 $0x1C02  }
0x43: {  	[timem:s3], [sflag:s2] =	dma.local @!p0 [hbm:s0], s1  }
0x44: {  	s0 =	simm.s32 @!p0 $0x2  }
0x45: {  	_ =	swait.ge @!p0 [sflag:s0], s1  }
0x46: {  	s1 =	ssub.s32 @!p0 $0x0, s1;
	[sflag:s0] =	ssyncset.done @!p0 $0x0  }
0x47: {  	[sflag:s0] =	ssyncadd.s32 @!p0 s1  }
0x48: {  	[bflag:$0x3] =	sbarrier.arrive $0xFFFF  }
0x49: {  	_ =	shalt  }

// kernel: kernel.18.cloned.1.call-start
scs
__scs_entry_jumppad:
0x0: {  	(pc) =	sbr.rel $0x88, $3  }
0x1: {  	(tag) =	ssettag $0x0;
	lr =	simm.s32 $0x1  }
0x2: {  	[smem:$0x3F7E] =	sst lr;
	_ =	strace $0xD0000000  }
0x3: {  	_ = 	snop  }
0x4: {  	_ = 	snop  }
0x5: {  	_ = 	snop  }
0x6: {  	_ = 	snop  }
0x7: {  	_ = 	snop  }
__scs_overlays_trampoline_lowered:
0x8: {  	[smem:$0x3F8D] =	sst s0  }
0x9: {  	[smem:$0x3F8E] =	sst s1  }
0xa: {  	[smem:$0x3F8F] =	sst s2  }
0xb: {  	[smem:$0x3F90] =	sst s3  }
0xc: {  	[smem:$0x3F91] =	sst s4  }
0xd: {  	[smem:$0x3F92] =	sst s5  }
0xe: {  	[smem:$0x3F93] =	sst s6  }
0xf: {  	[smem:$0x3F94] =	sst s7  }
0x10: {  	[smem:$0x3F95] =	sst s8  }
0x11: {  	[smem:$0x3F96] =	sst s9;
	s0 =	simm.s32 @!p0 $0x0  }
0x12: {  	s1 =	sld [smem:$0x3F7C];
	s0 =	simm.s32 @p0 $0x1  }
0x13: {  	[smem:$0x3F97] =	sst s0;
	s0 =	simm.s32 @!p1 $0x0  }
0x14: {  	s2 =	sld [smem:$0x3F7B];
	s0 =	simm.s32 @p1 $0x1  }
0x15: {  	[smem:$0x3F98] =	sst s0;
	s0 =	simm.s32 @!p2 $0x0  }
0x16: {  	s3 =	sld [smem:$0x3FDB];
	s0 =	simm.s32 @p2 $0x1  }
0x17: {  	s4 =	simm.s32 $0x1BF5;
	[smem:$0x3F9A] =	sst s0  }
0x18: {  	s0 =	sld [smem:$0x3F7D];
	_ =	swait.ge [sflag:s4], $0x0  }
0x19: {  	s7 =	sld [smem:$0x3F7E]  }
0x1a: {  	s8 =	sadd.s32 $0xFFFFE003, lr  }
0x1b: {  	s9 =	sadd.s32 $0xFFFFFEF7, lr;
	s5 =	simm.s32 $0xFFFFFFFF;
	p2 =	slt.u32 s8, $0xFFFFF086  }
0x1c: {  	p1 =	slt.u32 s9, $0xF7A;
	s5 =	simm.s32 @!p2 $0x0  }
0x1d: {  	s5 =	simm.s32 @p1 $0x1;
	p0 =	seq.s32 s7, s2  }
0x1e: {  	s7 =	smul.u32 @!p0 $0xF7A, s2;
	p2 =	seq.s32 @!p0 s5, $0x0  }
0x1f: {  	s9 =	smul.u32 $0xF7A, s1;
	s8 =	simm.s32 @!p0 $0x1BF5;
	p2 =	por !p2, p0  }
0x20: {  	[sflag:s8] =	ssyncset.s32 @!p0 $0xFFFFF086;
	s6 =	sadd.s32 @!p0 s3, s7;
	s7 =	simm.s32 @!p0 $0x108  }
0x21: {  	s3 =	sadd.s32 s3, s9;
	s6 =	sadd.s32 @!p0 $0x88, s6;
	s7 =	simm.s32 @p2 $0x1082  }
0x22: {  	[simem:s7], [sflag:s8] =	dma.local @!p0 [hbm:s6], $0xF7A  }
0x23: {  	s9 =	sor.u32 $0xD0000000, s2;
	s6 =	simm.s32 $0x108;
	_ =	swait.ge @!p0 [sflag:s8], $0x0  }
0x24: {  	s3 =	sadd.s32 $0x88, s3;
	s6 =	simm.s32 @!p1 $0x1082;
	[sflag:s4] =	ssyncset.s32 $0xFFFFF086  }
0x25: {  	[simem:s6], [sflag:s4] =	dma.local [hbm:s3], $0xF7A  }
0x26: {  	[smem:$0x3F7E] =	sst s1;
	(tag) =	ssettag s2;
	_ =	strace s9  }
0x27: {  	s1 =	sld [smem:$0x3F8E]  }
0x28: {  	s2 =	sld [smem:$0x3F8F]  }
0x29: {  	s4 =	sld [smem:$0x3F91]  }
0x2a: {  	p0 =	seq.s32 s5, $0x0;
	s5 =	sld [smem:$0x3F92]  }
0x2b: {  	s6 =	sld [smem:$0x3F93]  }
0x2c: {  	s7 =	sld [smem:$0x3F94]  }
0x2d: {  	s3 =	simm.s32 $0x108;
	s8 =	sld [smem:$0x3F95]  }
0x2e: {  	s3 =	simm.s32 @!p0 $0x1082;
	s9 =	sld [smem:$0x3F96]  }
0x2f: {  	lr =	sadd.s32 s0, s3;
	s0 =	sld [smem:$0x3F8D]  }
0x30: {  	s3 =	sld [smem:$0x3F90]  }
0x31: {  	[smem:$0x3F99] =	sst s10  }
0x32: {  	s10 =	sld [smem:$0x3F97];
	_ =	sdelay $0x3  }
0x33: {  	p0 =	seq.s32 s10, $0x1;
	s10 =	sld [smem:$0x3F99];
	_ =	sdelay $0x3  }
0x34: {  	[smem:$0x3F99] =	sst s10  }
0x35: {  	s10 =	sld [smem:$0x3F98];
	_ =	sdelay $0x3  }
0x36: {  	p1 =	seq.s32 s10, $0x1;
	s10 =	sld [smem:$0x3F99];
	_ =	sdelay $0x3  }
0x37: {  	[smem:$0x3F99] =	sst s10  }
0x38: {  	s10 =	sld [smem:$0x3F9A]  }
0x39: {  	_ = 	snop;
	(pc) =	sbr.ind lr, $3  }
0x3a: {  	_ = 	snop  }
0x3b: {  	_ = 	snop  }
0x3c: {  	p2 =	seq.s32 s10, $0x1;
	s10 =	sld [smem:$0x3F99]  }
0x3d: {  	_ =	shalt  }
0x3e: {  	_ =	shalt  }
0x3f: {  	_ =	shalt  }
0x40: {  	_ =	shalt  }
0x41: {  	_ =	shalt  }
0x42: {  	_ =	shalt  }
0x43: {  	_ =	shalt  }
0x44: {  	_ =	shalt  }
0x45: {  	_ =	shalt  }
0x46: {  	_ =	shalt  }
0x47: {  	_ =	shalt  }
0x48: {  	_ =	shalt  }
0x49: {  	_ =	shalt  }
0x4a: {  	_ =	shalt  }
0x4b: {  	_ =	shalt  }
0x4c: {  	_ =	shalt  }
0x4d: {  	_ =	shalt  }
0x4e: {  	_ =	shalt  }
0x4f: {  	_ =	shalt  }
0x50: {  	_ =	shalt  }
0x51: {  	_ =	shalt  }
0x52: {  	_ =	shalt  }
0x53: {  	_ =	shalt  }
0x54: {  	_ =	shalt  }
0x55: {  	_ =	shalt  }
0x56: {  	_ =	shalt  }
0x57: {  	_ =	shalt  }
0x58: {  	_ =	shalt  }
0x59: {  	_ =	shalt  }
0x5a: {  	_ =	shalt  }
0x5b: {  	_ =	shalt  }
0x5c: {  	_ =	shalt  }
0x5d: {  	_ =	shalt  }
0x5e: {  	_ =	shalt  }
0x5f: {  	_ =	shalt  }
0x60: {  	_ =	shalt  }
0x61: {  	_ =	shalt  }
0x62: {  	_ =	shalt  }
0x63: {  	_ =	shalt  }
0x64: {  	_ =	shalt  }
0x65: {  	_ =	shalt  }
0x66: {  	_ =	shalt  }
0x67: {  	_ =	shalt  }
0x68: {  	_ =	shalt  }
0x69: {  	_ =	shalt  }
0x6a: {  	_ =	shalt  }
0x6b: {  	_ =	shalt  }
0x6c: {  	_ =	shalt  }
0x6d: {  	_ =	shalt  }
0x6e: {  	_ =	shalt  }
0x6f: {  	_ =	shalt  }
0x70: {  	_ =	shalt  }
0x71: {  	_ =	shalt  }
0x72: {  	_ =	shalt  }
0x73: {  	_ =	shalt  }
0x74: {  	_ =	shalt  }
0x75: {  	_ =	shalt  }
0x76: {  	_ =	shalt  }
0x77: {  	_ =	shalt  }
0x78: {  	_ =	shalt  }
0x79: {  	_ =	shalt  }
0x7a: {  	_ =	shalt  }
0x7b: {  	_ =	shalt  }
0x7c: {  	_ =	shalt  }
0x7d: {  	_ =	shalt  }
0x7e: {  	_ =	shalt  }
0x7f: {  	_ =	shalt  }
0x80: {  	_ =	shalt  }
0x81: {  	_ =	shalt  }
0x82: {  	_ =	shalt  }
0x83: {  	_ =	shalt  }
0x84: {  	_ =	shalt  }
0x85: {  	_ =	shalt  }
0x86: {  	_ =	shalt  }
0x87: {  	_ =	shalt  }
.Lfunc_end0:
.L_simem_size_0:
called_computation.2_lowered:
.L_overlay_start_0:
0x88: {  	s2 =	sld [smem:$0x3FD9]  }
0x89: {  	s3 =	sld [smem:$0x3FFE];
	_ =	sdelay $0x1  }
0x8a: {  	s1 =	srdreg.scid  }
0x8b: {  	s0 =	sand.u32 $0x1, s1  }
0x8c: {  	s16 =	sshll.u32 s0, $0xA;
	s2 =	sadd.s32 s3, s2  }
0x8d: {  	s2 =	sadd.s32 s2, s16  }
0x8e: {  	[smem:$0x3FA5] =	sst s2  }
0x8f: {  	_ = 	snop  }
0x90: {  	(tm) =	ssettm $0x1  }
0x91: {  	s17 =	sld [smem:$0x3FFB];
	_ =	sdelay $0x3  }
0x92: {  	_ =	strace s17  }
0x93: {  	s2 =	sld [smem:$0x3FFC];
	_ =	sdelay $0x3  }
0x94: {  	_ =	strace s2  }
0x95: {  	s2 =	sld [smem:$0x3FFD];
	_ =	sdelay $0x3  }
0x96: {  	_ =	strace s2  }
0x97: {  	_ =	strace $0x8FFFFFFF  }
0x98: {  	s18 =	sld [smem:$0x3FDB];
	_ =	sdelay $0x1  }
0x99: {  	s19 =	simm.s32 $_scs_section_size  }
0x9a: {  	s4 =	simm.s32 $_size__tile_overlayer_lowered;
	s5 =	simm.s32 $_tile_overlayer_lowered  }
0x9b: {  	s22 =	simm.s32 $0x1BFF;
	s21 =	sshll.u32 s5, $0x1;
	s2 =	sadd.s32 s19, s18  }
0x9c: {  	s6 =	simm.s32 $0x0;
	s20 =	sshll.u32 s4, $0x1;
	s4 =	sadd.s32 s21, s2  }
0x9d: {  	[timem:s6], [sflag:s22] =	dma.local [hbm:s4], s20  }
0x9e: {  	_ =	swait.ge [sflag:s22], s20  }
0x9f: {  	s3 =	ssub.s32 $0x0, s20;
	[sflag:s22] =	ssyncset.done $0x0  }
0xa0: {  	[sflag:s22] =	ssyncadd.s32 s3;
	_ =	sdelay $0x1  }
0xa1: {  	s23 =	simm.s32 $0x1B8B  }
0xa2: {  	_ =	swait.ge [sflag:s23], $0x1  }
0xa3: {  	[sflag:s23] =	ssyncset.done $0x0  }
0xa4: {  	s25 =	simm.s32 $0x1B8E;
	s24 =	sld [smem:$0x3FFE];
	[sflag:s23] =	ssyncadd.s32 $0xFFFFFFFF  }
0xa5: {  	s26 =	simm.s32 $execute0_lowered;
	[smem:$0x3FD2] =	sst s25  }
0xa6: {  	s4 =	sshll.u32 s26, $0x1;
	_ =	strace $0x8000004C;
	[dreg:$0x1] =	wrdreg $0xFFFFFFFF  }
0xa7: {  	s28 =	simm.s32 $_size_execute0_lowered;
	s2 =	sadd.s32 s2, s4;
	[dreg:$0x0] =	wrdreg $0x0  }
0xa8: {  	s4 =	sshll.u32 s28, $0x1;
	[dreg:$0x2] =	wrdreg s2  }
0xa9: {  	[dreg:$0x3] =	wrdreg s4  }
0xaa: {  	[dreg:$0x4] =	wrdreg $0xC0  }
0xab: {  	_ =	task [dreg:s6], $0x5FFFF  }
0xac: {  	[dreg:$0x1] =	wrdreg $0xFFFFFFFF  }
0xad: {  	[dreg:$0x0] =	wrdreg $0x60  }
0xae: {  	[dreg:$0x2] =	wrdreg s24  }
0xaf: {  	[dreg:$0x3] =	wrdreg $0x90000  }
0xb0: {  	[dreg:$0x4] =	wrdreg $0x9  }
0xb1: {  	_ =	task.clear_ibuf [dreg:s6], $0x5FFFF;
	_ =	strace $0x9000004C  }
0xb2: {  	s29 =	simm.s32 $0x9;
	_ =	strace $0x8000004E  }
0xb3: {  	_ =	swait.ge [sflag:s29], $0x1  }
0xb4: {  	[sflag:s29] =	ssyncadd.s32 $0xFFFFFFFF  }
0xb5: {  	_ =	strace $0x9000004E  }
0xb6: {  	_ =	sfence  }
0xb7: {  	s30 =	sld [smem:$0x0];
	_ =	sdelay $0x2  }
0xb8: {  	s31 =	sshll.u32 s1, $0xD;
	s1 =	sshrl.u32 s1, $0x2  }
0xb9: {  	s3 =	sand.u32 $0x4000, s31;
	s1 =	sadd.s32 s1, s30  }
0xba: {  	s0 =	sor.u32 s3, s0;
	s1 =	sshll.u32 s1, $0x11  }
0xbb: {  	s0 =	sor.u32 s1, s0  }
0xbc: {  	s0 =	sadd.s32 $0x8F2B, s0  }
0xbd: {  	[sflag:s0] =	ssyncadd.remote.s32 $0x1  }
0xbe: {  	_ =	sfence.sel $0xFFFF  }
0xbf: {  	[dreg:$0x0] =	wrdreg $0xFFFFFFFF;
	(pc) =	sbr.abs _section_cstart, $3  }
0xc0: {  	[dreg:$0x1] =	wrdreg $0xFFFFFFFF  }
0xc1: {  	_ =	task.clear_ibuf [dreg:s6], $0x2FFFF;
	_ =	strace $0x9FFFFFFF  }
0xc2: {  	(tm) =	ssettm $0x7FFFFFFF  }
0xc3: {  	_ =	shalt  }
tec
execute0_lowered:
.L_overlay_start_1:
0x0: {  	(tag) =	ssettag $0x1  }
0x1: {  	s0 =	srdreg.scid;
	s6 =	rddreg [dreg:$0x0]  }
0x2: {  	s2 =	rddreg [dreg:$0x1];
	s3 =	simm.s32 $0x0;
	s14 =	simm.s32 $0x80  }
0x3: {  	s15 =	simm.s32 $0x5000;
	s5 =	sand.u32 $0x1, s0;
	s0 =	stileid.u32  }
0x4: {  	s16 =	simm.s32 $0x1;
	s17 =	simm.s32 $0x0;
	s8 =	smul.u32 $0x14000, s0  }
0x5: {  	[smem:$0x7FF] =	sst s3;
	s1 =	sshll.u32 s5, $0x4;
	s9 =	smul.u32 $0x140000, s5  }
0x6: {  	s5 =	ssub.s32 $0x2, s5;
	s29 =	smul.u32 $0x50000, s0;
	s31 =	sshll.u32 s0, $0x6  }
0x7: {  	s4 =	sor.u32 s0, s1;
	s1 =	rddreg [dreg:$0x2];
	_ =	strace $0x8000004D  }
0x8: {  	s11 =	sshrl.u32 s5, $0x1;
	s7 =	smul.u32 $0x500, s4;
	s4 =	sadd.s32 $0x41C00, s6  }
0x9: {  	s28 =	sshrl.u32 s8, $0x3;
	s8 =	sadd.s32 s8, s9;
	s30 =	sshrl.u32 s29, $0x2  }
0xa: {  	s11 =	ssub.s32 s5, s11;
	s8 =	sshrl.u32 s8, $0x3;
	s13 =	sadd.s32 s30, s2  }
0xb: {  	s10 =	sadd.s32 s7, s6;
	s7 =	sadd.s32 s28, s6;
	s12 =	sadd.s32 s8, s6  }
0xc: {  	s6 =	sor.u32 $0x1C02, s31;
	s5 =	sadd.s32 $0x19C00, s7;
	s7 =	sadd.s32 $0xFC00, s10  }
0xd: {  	s8 =	sadd.s32 $0x5C00, s10;
	s9 =	sadd.s32 $0x91C00, s12;
	s10 =	smax.u32 s11, $0x1  }
0xe: {  	s11 =	sshrl.u32 s13, $0x3;
	s12 =	simm.s32 $0x2;
	s13 =	simm.s32 $0x2800  }
.LBB2_1:
0xf: {  	[spmem:s11], [sflag:s6] =	dma.local [hbm:s5], $0x2800  }
0x10: {  	_ =	swait.ge [sflag:s12], $0x2800  }
0x11: {  	[sflag:s12] =	ssyncset.done $0x0  }
0x12: {  	[sflag:s12] =	ssyncadd.s32 $0xFFFFD800  }
0x13: {  	[tilespmem:s3], [sflag:$0x2] =	stream.linear.gather [hbm4b:s7+s3], $0x2800, $0x38;
	[tilespmem:$0x1D000] =	vst v63  }
0x14: {  	_ =	swait.ge [sflag:s12], $0x2800  }
0x15: {  	[sflag:s12] =	ssyncset.done $0x0  }
0x16: {  	[sflag:s12] =	ssyncadd.s32 $0xFFFFD800  }
0x17: {  	[tilespmem:s13], [sflag:$0x2] =	stream.linear.gather [hbm4b:s8+s3], $0x2800, $0x38;
	[tilespmem:$0x1D000] =	vst v63  }
0x18: {  	_ =	swait.ge [sflag:s12], $0x2800  }
0x19: {  	[sflag:s12] =	ssyncset.done $0x0  }
0x1a: {  	[sflag:s12] =	ssyncadd.s32 $0xFFFFD800  }
0x1b: {  	s18 =	simm.s32 $0x0;
	[bflag:$0x0] =	sbarrier.arrive $0xFFFF  }
0x1c: {  	[tilespmem:s15], [sflag:$0x1] =	stream.indirect.gather [hbm4b:s4+s14], $0x80, s18, s14, $0xb8;
	[tilespmem:$0x1D000] =	vst v63  }
0x1d: {  	_ =	swait.ge [sflag:s16], $0x4000  }
0x1e: {  	[sflag:s16] =	ssyncset.done $0x0  }
0x1f: {  	s31 =	simm.s32 $0x2800;
	[sflag:s16] =	ssyncadd.s32 $0xFFFFC000  }
0x20: {  	[spmem:s2] =	stream.indirect.scatter.add.f32 [tilespmem:s15], [sflag:$0x2], $0x80, s31, s14, $0xb8;
	[tilespmem:$0x1D000] =	vst v63  }
0x21: {  	_ =	swait.ge [sflag:s12], $0x4000  }
0x22: {  	s19 =	simm.s32 $0x400;
	s18 =	simm.s32 $0x200;
	[sflag:s12] =	ssyncset.done $0x0  }
.LBB2_2:
0x23: {  	s20 =	sshra.s32 s18, $0x2  }
0x24: {  	[sflag:s12] =	ssyncadd.s32 $0xFFFFC000;
	s18 =	smov.u32 s19;
	s21 =	sadd.s32 $0x200, s19  }
0x25: {  	[tilespmem:s15], [sflag:$0x1] =	stream.indirect.gather [hbm4b:s4+s14], $0x80, s20, s14, $0xb8;
	[tilespmem:$0x1D000] =	vst v63  }
0x26: {  	p0 =	sne.s32 s19, $0x9E00;
	_ =	swait.ge [sflag:s16], $0x4000  }
.Ltmp0:
0x27: {  	[sflag:s16] =	ssyncset.done $0x0;
	(pc) =	sbr.rel @p0 .LBB2_2-.Ltmp0, $4  }
0x28: {  	s19 =	sadd.s32 $0x2800, s20;
	[sflag:s16] =	ssyncadd.s32 $0xFFFFC000  }
0x29: {  	[spmem:s2] =	stream.indirect.scatter.add.f32 [tilespmem:s15], [sflag:$0x2], $0x80, s19, s14, $0xb8;
	[tilespmem:$0x1D000] =	vst v63  }
0x2a: {  	_ =	swait.ge [sflag:s12], $0x4000  }
0x2b: {  	s19 =	smov.u32 s21;
	[sflag:s12] =	ssyncset.done $0x0  }
0x2c: {  	s18 =	sshra.s32 s18, $0x2;
	[sflag:s12] =	ssyncadd.s32 $0xFFFFC000  }
0x2d: {  	[tilespmem:s15], [sflag:$0x1] =	stream.indirect.gather [hbm4b:s4+s14], $0x80, s18, s14, $0xb8;
	[tilespmem:$0x1D000] =	vst v63  }
0x2e: {  	_ =	swait.ge [sflag:s16], $0x4000  }
0x2f: {  	[sflag:s16] =	ssyncset.done $0x0  }
0x30: {  	s18 =	sadd.s32 $0x2800, s18;
	[sflag:s16] =	ssyncadd.s32 $0xFFFFC000  }
0x31: {  	[spmem:s2] =	stream.indirect.scatter.add.f32 [tilespmem:s15], [sflag:$0x2], $0x80, s18, s14, $0xb8;
	[tilespmem:$0x1D000] =	vst v63  }
0x32: {  	_ =	swait.ge [sflag:s12], $0x4000  }
0x33: {  	s17 =	sadd.s32 $0x1, s17;
	[sflag:s12] =	ssyncset.done $0x0  }
0x34: {  	p0 =	sne.s32 s17, s10;
	[sflag:s12] =	ssyncadd.s32 $0xFFFFC000  }
.Ltmp1:
0x35: {  	[bflag:$0x0] =	sbarrier.arrive $0xFFFF;
	(pc) =	sbr.rel @p0 .LBB2_1-.Ltmp1, $4  }
0x36: {  	[hbm:s9], [sflag:s6] =	dma.local [spmem:s11], $0x2800  }
0x37: {  	_ =	swait.ge [sflag:s12], $0x2800  }
0x38: {  	[sflag:s12] =	ssyncset.done $0x0  }
0x39: {  	[sflag:s12] =	ssyncadd.s32 $0xFFFFD800  }
0x3a: {  	_ =	sfence.sel $0x180000  }
0x3b: {  	[bflag:$0x0] =	sbarrier.arrive $0xFFFF  }
0x3c: {  	p0 =	sne.s32 s0, $0x0;
	_ =	strace $0x9000004D  }
0x3d: {  	s0 =	sadd.s32 @!p0 $0x100000, s1;
	[bflag:$0x2] =	sbarrier.arrive $0xFFFF  }
0x3e: {  	[sflag:s0] =	ssyncadd.tile.s32 @!p0 $0x1;
	_ =	shalt  }
.Lfunc_end2:
_tile_overlayer_lowered:
.L_overlay_start_2:
0x3f: {  	(tag) =	ssettag $0x2  }
0x40: {  	s0 =	rddreg [dreg:$0x0];
	s2 =	stileid.u32  }
0x41: {  	s1 =	rddreg [dreg:$0x1];
	p0 =	sne.s32 s2, $0x0  }
0x42: {  	s3 =	rddreg [dreg:$0x2];
	[bflag:$0x3] =	sbarrier.arrive $0xFFFF;
	s2 =	simm.s32 @!p0 $0x1C02  }
0x43: {  	[timem:s3], [sflag:s2] =	dma.local @!p0 [hbm:s0], s1  }
0x44: {  	s0 =	simm.s32 @!p0 $0x2  }
0x45: {  	_ =	swait.ge @!p0 [sflag:s0], s1  }
0x46: {  	s1 =	ssub.s32 @!p0 $0x0, s1;
	[sflag:s0] =	ssyncset.done @!p0 $0x0  }
0x47: {  	[sflag:s0] =	ssyncadd.s32 @!p0 s1  }
0x48: {  	[bflag:$0x3] =	sbarrier.arrive $0xFFFF  }
0x49: {  	_ =	shalt  }

// kernel: kernel.21.cloned.1.call-start
scs
__scs_entry_jumppad:
0x0: {  	(pc) =	sbr.rel $0x88, $3  }
0x1: {  	(tag) =	ssettag $0x0;
	lr =	simm.s32 $0x1  }
0x2: {  	[smem:$0x3F7E] =	sst lr;
	_ =	strace $0xD0000000  }
0x3: {  	_ = 	snop  }
0x4: {  	_ = 	snop  }
0x5: {  	_ = 	snop  }
0x6: {  	_ = 	snop  }
0x7: {  	_ = 	snop  }
__scs_overlays_trampoline_lowered:
0x8: {  	[smem:$0x3F8D] =	sst s0  }
0x9: {  	[smem:$0x3F8E] =	sst s1  }
0xa: {  	[smem:$0x3F8F] =	sst s2  }
0xb: {  	[smem:$0x3F90] =	sst s3  }
0xc: {  	[smem:$0x3F91] =	sst s4  }
0xd: {  	[smem:$0x3F92] =	sst s5  }
0xe: {  	[smem:$0x3F93] =	sst s6  }
0xf: {  	[smem:$0x3F94] =	sst s7  }
0x10: {  	[smem:$0x3F95] =	sst s8  }
0x11: {  	[smem:$0x3F96] =	sst s9;
	s0 =	simm.s32 @!p0 $0x0  }
0x12: {  	s1 =	sld [smem:$0x3F7C];
	s0 =	simm.s32 @p0 $0x1  }
0x13: {  	[smem:$0x3F97] =	sst s0;
	s0 =	simm.s32 @!p1 $0x0  }
0x14: {  	s2 =	sld [smem:$0x3F7B];
	s0 =	simm.s32 @p1 $0x1  }
0x15: {  	[smem:$0x3F98] =	sst s0;
	s0 =	simm.s32 @!p2 $0x0  }
0x16: {  	s3 =	sld [smem:$0x3FDB];
	s0 =	simm.s32 @p2 $0x1  }
0x17: {  	s4 =	simm.s32 $0x1BF5;
	[smem:$0x3F9A] =	sst s0  }
0x18: {  	s0 =	sld [smem:$0x3F7D];
	_ =	swait.ge [sflag:s4], $0x0  }
0x19: {  	s7 =	sld [smem:$0x3F7E]  }
0x1a: {  	s8 =	sadd.s32 $0xFFFFE003, lr  }
0x1b: {  	s9 =	sadd.s32 $0xFFFFFEF7, lr;
	s5 =	simm.s32 $0xFFFFFFFF;
	p2 =	slt.u32 s8, $0xFFFFF086  }
0x1c: {  	p1 =	slt.u32 s9, $0xF7A;
	s5 =	simm.s32 @!p2 $0x0  }
0x1d: {  	s5 =	simm.s32 @p1 $0x1;
	p0 =	seq.s32 s7, s2  }
0x1e: {  	s7 =	smul.u32 @!p0 $0xF7A, s2;
	p2 =	seq.s32 @!p0 s5, $0x0  }
0x1f: {  	s9 =	smul.u32 $0xF7A, s1;
	s8 =	simm.s32 @!p0 $0x1BF5;
	p2 =	por !p2, p0  }
0x20: {  	[sflag:s8] =	ssyncset.s32 @!p0 $0xFFFFF086;
	s6 =	sadd.s32 @!p0 s3, s7;
	s7 =	simm.s32 @!p0 $0x108  }
0x21: {  	s3 =	sadd.s32 s3, s9;
	s6 =	sadd.s32 @!p0 $0x88, s6;
	s7 =	simm.s32 @p2 $0x1082  }
0x22: {  	[simem:s7], [sflag:s8] =	dma.local @!p0 [hbm:s6], $0xF7A  }
0x23: {  	s9 =	sor.u32 $0xD0000000, s2;
	s6 =	simm.s32 $0x108;
	_ =	swait.ge @!p0 [sflag:s8], $0x0  }
0x24: {  	s3 =	sadd.s32 $0x88, s3;
	s6 =	simm.s32 @!p1 $0x1082;
	[sflag:s4] =	ssyncset.s32 $0xFFFFF086  }
0x25: {  	[simem:s6], [sflag:s4] =	dma.local [hbm:s3], $0xF7A  }
0x26: {  	[smem:$0x3F7E] =	sst s1;
	(tag) =	ssettag s2;
	_ =	strace s9  }
0x27: {  	s1 =	sld [smem:$0x3F8E]  }
0x28: {  	s2 =	sld [smem:$0x3F8F]  }
0x29: {  	s4 =	sld [smem:$0x3F91]  }
0x2a: {  	p0 =	seq.s32 s5, $0x0;
	s5 =	sld [smem:$0x3F92]  }
0x2b: {  	s6 =	sld [smem:$0x3F93]  }
0x2c: {  	s7 =	sld [smem:$0x3F94]  }
0x2d: {  	s3 =	simm.s32 $0x108;
	s8 =	sld [smem:$0x3F95]  }
0x2e: {  	s3 =	simm.s32 @!p0 $0x1082;
	s9 =	sld [smem:$0x3F96]  }
0x2f: {  	lr =	sadd.s32 s0, s3;
	s0 =	sld [smem:$0x3F8D]  }
0x30: {  	s3 =	sld [smem:$0x3F90]  }
0x31: {  	[smem:$0x3F99] =	sst s10  }
0x32: {  	s10 =	sld [smem:$0x3F97];
	_ =	sdelay $0x3  }
0x33: {  	p0 =	seq.s32 s10, $0x1;
	s10 =	sld [smem:$0x3F99];
	_ =	sdelay $0x3  }
0x34: {  	[smem:$0x3F99] =	sst s10  }
0x35: {  	s10 =	sld [smem:$0x3F98];
	_ =	sdelay $0x3  }
0x36: {  	p1 =	seq.s32 s10, $0x1;
	s10 =	sld [smem:$0x3F99];
	_ =	sdelay $0x3  }
0x37: {  	[smem:$0x3F99] =	sst s10  }
0x38: {  	s10 =	sld [smem:$0x3F9A]  }
0x39: {  	_ = 	snop;
	(pc) =	sbr.ind lr, $3  }
0x3a: {  	_ = 	snop  }
0x3b: {  	_ = 	snop  }
0x3c: {  	p2 =	seq.s32 s10, $0x1;
	s10 =	sld [smem:$0x3F99]  }
0x3d: {  	_ =	shalt  }
0x3e: {  	_ =	shalt  }
0x3f: {  	_ =	shalt  }
0x40: {  	_ =	shalt  }
0x41: {  	_ =	shalt  }
0x42: {  	_ =	shalt  }
0x43: {  	_ =	shalt  }
0x44: {  	_ =	shalt  }
0x45: {  	_ =	shalt  }
0x46: {  	_ =	shalt  }
0x47: {  	_ =	shalt  }
0x48: {  	_ =	shalt  }
0x49: {  	_ =	shalt  }
0x4a: {  	_ =	shalt  }
0x4b: {  	_ =	shalt  }
0x4c: {  	_ =	shalt  }
0x4d: {  	_ =	shalt  }
0x4e: {  	_ =	shalt  }
0x4f: {  	_ =	shalt  }
0x50: {  	_ =	shalt  }
0x51: {  	_ =	shalt  }
0x52: {  	_ =	shalt  }
0x53: {  	_ =	shalt  }
0x54: {  	_ =	shalt  }
0x55: {  	_ =	shalt  }
0x56: {  	_ =	shalt  }
0x57: {  	_ =	shalt  }
0x58: {  	_ =	shalt  }
0x59: {  	_ =	shalt  }
0x5a: {  	_ =	shalt  }
0x5b: {  	_ =	shalt  }
0x5c: {  	_ =	shalt  }
0x5d: {  	_ =	shalt  }
0x5e: {  	_ =	shalt  }
0x5f: {  	_ =	shalt  }
0x60: {  	_ =	shalt  }
0x61: {  	_ =	shalt  }
0x62: {  	_ =	shalt  }
0x63: {  	_ =	shalt  }
0x64: {  	_ =	shalt  }
0x65: {  	_ =	shalt  }
0x66: {  	_ =	shalt  }
0x67: {  	_ =	shalt  }
0x68: {  	_ =	shalt  }
0x69: {  	_ =	shalt  }
0x6a: {  	_ =	shalt  }
0x6b: {  	_ =	shalt  }
0x6c: {  	_ =	shalt  }
0x6d: {  	_ =	shalt  }
0x6e: {  	_ =	shalt  }
0x6f: {  	_ =	shalt  }
0x70: {  	_ =	shalt  }
0x71: {  	_ =	shalt  }
0x72: {  	_ =	shalt  }
0x73: {  	_ =	shalt  }
0x74: {  	_ =	shalt  }
0x75: {  	_ =	shalt  }
0x76: {  	_ =	shalt  }
0x77: {  	_ =	shalt  }
0x78: {  	_ =	shalt  }
0x79: {  	_ =	shalt  }
0x7a: {  	_ =	shalt  }
0x7b: {  	_ =	shalt  }
0x7c: {  	_ =	shalt  }
0x7d: {  	_ =	shalt  }
0x7e: {  	_ =	shalt  }
0x7f: {  	_ =	shalt  }
0x80: {  	_ =	shalt  }
0x81: {  	_ =	shalt  }
0x82: {  	_ =	shalt  }
0x83: {  	_ =	shalt  }
0x84: {  	_ =	shalt  }
0x85: {  	_ =	shalt  }
0x86: {  	_ =	shalt  }
0x87: {  	_ =	shalt  }
.Lfunc_end0:
.L_simem_size_0:
called_computation.3_lowered:
.L_overlay_start_0:
0x88: {  	s2 =	sld [smem:$0x3FD9]  }
0x89: {  	s3 =	sld [smem:$0x3FFE];
	_ =	sdelay $0x1  }
0x8a: {  	s1 =	srdreg.scid  }
0x8b: {  	s0 =	sand.u32 $0x1, s1  }
0x8c: {  	s16 =	sshll.u32 s0, $0xA;
	s2 =	sadd.s32 s3, s2  }
0x8d: {  	s2 =	sadd.s32 s2, s16  }
0x8e: {  	[smem:$0x3FA5] =	sst s2  }
0x8f: {  	_ = 	snop  }
0x90: {  	(tm) =	ssettm $0x1  }
0x91: {  	s17 =	sld [smem:$0x3FFB];
	_ =	sdelay $0x3  }
0x92: {  	_ =	strace s17  }
0x93: {  	s2 =	sld [smem:$0x3FFC];
	_ =	sdelay $0x3  }
0x94: {  	_ =	strace s2  }
0x95: {  	s2 =	sld [smem:$0x3FFD];
	_ =	sdelay $0x3  }
0x96: {  	_ =	strace s2  }
0x97: {  	_ =	strace $0x8FFFFFFF  }
0x98: {  	s18 =	sld [smem:$0x3FDB];
	_ =	sdelay $0x1  }
0x99: {  	s19 =	simm.s32 $_scs_section_size  }
0x9a: {  	s4 =	simm.s32 $_size__tile_overlayer_lowered;
	s5 =	simm.s32 $_tile_overlayer_lowered  }
0x9b: {  	s22 =	simm.s32 $0x1BFF;
	s21 =	sshll.u32 s5, $0x1;
	s2 =	sadd.s32 s19, s18  }
0x9c: {  	s6 =	simm.s32 $0x0;
	s20 =	sshll.u32 s4, $0x1;
	s4 =	sadd.s32 s21, s2  }
0x9d: {  	[timem:s6], [sflag:s22] =	dma.local [hbm:s4], s20  }
0x9e: {  	_ =	swait.ge [sflag:s22], s20  }
0x9f: {  	s3 =	ssub.s32 $0x0, s20;
	[sflag:s22] =	ssyncset.done $0x0  }
0xa0: {  	[sflag:s22] =	ssyncadd.s32 s3;
	_ =	sdelay $0x1  }
0xa1: {  	s23 =	simm.s32 $0x1B8B  }
0xa2: {  	_ =	swait.ge [sflag:s23], $0x1  }
0xa3: {  	[sflag:s23] =	ssyncset.done $0x0  }
0xa4: {  	s25 =	simm.s32 $0x1B8E;
	s24 =	sld [smem:$0x3FFE];
	[sflag:s23] =	ssyncadd.s32 $0xFFFFFFFF  }
0xa5: {  	s26 =	simm.s32 $execute0_lowered;
	[smem:$0x3FD2] =	sst s25  }
0xa6: {  	s4 =	sshll.u32 s26, $0x1;
	_ =	strace $0x8000004F;
	[dreg:$0x1] =	wrdreg $0xFFFFFFFF  }
0xa7: {  	s28 =	simm.s32 $_size_execute0_lowered;
	s2 =	sadd.s32 s2, s4;
	[dreg:$0x0] =	wrdreg $0x0  }
0xa8: {  	s4 =	sshll.u32 s28, $0x1;
	[dreg:$0x2] =	wrdreg s2  }
0xa9: {  	[dreg:$0x3] =	wrdreg s4  }
0xaa: {  	[dreg:$0x4] =	wrdreg $0xC0  }
0xab: {  	_ =	task [dreg:s6], $0x5FFFF  }
0xac: {  	[dreg:$0x1] =	wrdreg $0xFFFFFFFF  }
0xad: {  	[dreg:$0x0] =	wrdreg $0x60  }
0xae: {  	[dreg:$0x2] =	wrdreg s24  }
0xaf: {  	[dreg:$0x3] =	wrdreg $0x90000  }
0xb0: {  	[dreg:$0x4] =	wrdreg $0x9  }
0xb1: {  	_ =	task.clear_ibuf [dreg:s6], $0x5FFFF;
	_ =	strace $0x9000004F  }
0xb2: {  	s29 =	simm.s32 $0x9;
	_ =	strace $0x80000051  }
0xb3: {  	_ =	swait.ge [sflag:s29], $0x1  }
0xb4: {  	[sflag:s29] =	ssyncadd.s32 $0xFFFFFFFF  }
0xb5: {  	_ =	strace $0x90000051  }
0xb6: {  	_ =	sfence  }
0xb7: {  	s30 =	sld [smem:$0x0];
	_ =	sdelay $0x2  }
0xb8: {  	s31 =	sshll.u32 s1, $0xD;
	s1 =	sshrl.u32 s1, $0x2  }
0xb9: {  	s3 =	sand.u32 $0x4000, s31;
	s1 =	sadd.s32 s1, s30  }
0xba: {  	s0 =	sor.u32 s3, s0;
	s1 =	sshll.u32 s1, $0x11  }
0xbb: {  	s0 =	sor.u32 s1, s0  }
0xbc: {  	s0 =	sadd.s32 $0x8F2B, s0  }
0xbd: {  	[sflag:s0] =	ssyncadd.remote.s32 $0x1  }
0xbe: {  	_ =	sfence.sel $0xFFFF  }
0xbf: {  	[dreg:$0x0] =	wrdreg $0xFFFFFFFF;
	(pc) =	sbr.abs _section_cstart, $3  }
0xc0: {  	[dreg:$0x1] =	wrdreg $0xFFFFFFFF  }
0xc1: {  	_ =	task.clear_ibuf [dreg:s6], $0x2FFFF;
	_ =	strace $0x9FFFFFFF  }
0xc2: {  	(tm) =	ssettm $0x7FFFFFFF  }
0xc3: {  	_ =	shalt  }
tec
execute0_lowered:
.L_overlay_start_1:
0x0: {  	(tag) =	ssettag $0x1  }
0x1: {  	s0 =	srdreg.scid;
	s6 =	rddreg [dreg:$0x0]  }
0x2: {  	s2 =	rddreg [dreg:$0x1];
	s3 =	simm.s32 $0x0;
	s14 =	simm.s32 $0x80  }
0x3: {  	s15 =	simm.s32 $0x5000;
	s5 =	sand.u32 $0x1, s0;
	s0 =	stileid.u32  }
0x4: {  	s16 =	simm.s32 $0x1;
	s17 =	simm.s32 $0x0;
	s8 =	smul.u32 $0x14000, s0  }
0x5: {  	[smem:$0x7FF] =	sst s3;
	s1 =	sshll.u32 s5, $0x4;
	s9 =	smul.u32 $0x140000, s5  }
0x6: {  	s5 =	ssub.s32 $0x2, s5;
	s29 =	smul.u32 $0x50000, s0;
	s31 =	sshll.u32 s0, $0x6  }
0x7: {  	s4 =	sor.u32 s0, s1;
	s1 =	rddreg [dreg:$0x2];
	_ =	strace $0x80000050  }
0x8: {  	s11 =	sshrl.u32 s5, $0x1;
	s7 =	smul.u32 $0x500, s4;
	s4 =	sadd.s32 $0x41C00, s6  }
0x9: {  	s28 =	sshrl.u32 s8, $0x3;
	s8 =	sadd.s32 s8, s9;
	s30 =	sshrl.u32 s29, $0x2  }
0xa: {  	s11 =	ssub.s32 s5, s11;
	s8 =	sshrl.u32 s8, $0x3;
	s13 =	sadd.s32 s30, s2  }
0xb: {  	s10 =	sadd.s32 s7, s6;
	s7 =	sadd.s32 s28, s6;
	s12 =	sadd.s32 s8, s6  }
0xc: {  	s6 =	sor.u32 $0x1C02, s31;
	s5 =	sadd.s32 $0x19C00, s7;
	s7 =	sadd.s32 $0xFC00, s10  }
0xd: {  	s8 =	sadd.s32 $0x5C00, s10;
	s9 =	sadd.s32 $0x91C00, s12;
	s10 =	smax.u32 s11, $0x1  }
0xe: {  	s11 =	sshrl.u32 s13, $0x3;
	s12 =	simm.s32 $0x2;
	s13 =	simm.s32 $0x2800  }
.LBB2_1:
0xf: {  	[spmem:s11], [sflag:s6] =	dma.local [hbm:s5], $0x2800  }
0x10: {  	_ =	swait.ge [sflag:s12], $0x2800  }
0x11: {  	[sflag:s12] =	ssyncset.done $0x0  }
0x12: {  	[sflag:s12] =	ssyncadd.s32 $0xFFFFD800  }
0x13: {  	[tilespmem:s3], [sflag:$0x2] =	stream.linear.gather [hbm4b:s7+s3], $0x2800, $0x38;
	[tilespmem:$0x1D000] =	vst v63  }
0x14: {  	_ =	swait.ge [sflag:s12], $0x2800  }
0x15: {  	[sflag:s12] =	ssyncset.done $0x0  }
0x16: {  	[sflag:s12] =	ssyncadd.s32 $0xFFFFD800  }
0x17: {  	[tilespmem:s13], [sflag:$0x2] =	stream.linear.gather [hbm4b:s8+s3], $0x2800, $0x38;
	[tilespmem:$0x1D000] =	vst v63  }
0x18: {  	_ =	swait.ge [sflag:s12], $0x2800  }
0x19: {  	[sflag:s12] =	ssyncset.done $0x0  }
0x1a: {  	[sflag:s12] =	ssyncadd.s32 $0xFFFFD800  }
0x1b: {  	s18 =	simm.s32 $0x0;
	[bflag:$0x0] =	sbarrier.arrive $0xFFFF  }
0x1c: {  	[tilespmem:s15], [sflag:$0x1] =	stream.indirect.gather [hbm4b:s4+s14], $0x80, s18, s14, $0xb8;
	[tilespmem:$0x1D000] =	vst v63  }
0x1d: {  	_ =	swait.ge [sflag:s16], $0x4000  }
0x1e: {  	[sflag:s16] =	ssyncset.done $0x0  }
0x1f: {  	s31 =	simm.s32 $0x2800;
	[sflag:s16] =	ssyncadd.s32 $0xFFFFC000  }
0x20: {  	[spmem:s2] =	stream.indirect.scatter.add.f32 [tilespmem:s15], [sflag:$0x2], $0x80, s31, s14, $0xb8;
	[tilespmem:$0x1D000] =	vst v63  }
0x21: {  	_ =	swait.ge [sflag:s12], $0x4000  }
0x22: {  	s19 =	simm.s32 $0x400;
	s18 =	simm.s32 $0x200;
	[sflag:s12] =	ssyncset.done $0x0  }
.LBB2_2:
0x23: {  	s20 =	sshra.s32 s18, $0x2  }
0x24: {  	[sflag:s12] =	ssyncadd.s32 $0xFFFFC000;
	s18 =	smov.u32 s19;
	s21 =	sadd.s32 $0x200, s19  }
0x25: {  	[tilespmem:s15], [sflag:$0x1] =	stream.indirect.gather [hbm4b:s4+s14], $0x80, s20, s14, $0xb8;
	[tilespmem:$0x1D000] =	vst v63  }
0x26: {  	p0 =	sne.s32 s19, $0x9E00;
	_ =	swait.ge [sflag:s16], $0x4000  }
.Ltmp0:
0x27: {  	[sflag:s16] =	ssyncset.done $0x0;
	(pc) =	sbr.rel @p0 .LBB2_2-.Ltmp0, $4  }
0x28: {  	s19 =	sadd.s32 $0x2800, s20;
	[sflag:s16] =	ssyncadd.s32 $0xFFFFC000  }
0x29: {  	[spmem:s2] =	stream.indirect.scatter.add.f32 [tilespmem:s15], [sflag:$0x2], $0x80, s19, s14, $0xb8;
	[tilespmem:$0x1D000] =	vst v63  }
0x2a: {  	_ =	swait.ge [sflag:s12], $0x4000  }
0x2b: {  	s19 =	smov.u32 s21;
	[sflag:s12] =	ssyncset.done $0x0  }
0x2c: {  	s18 =	sshra.s32 s18, $0x2;
	[sflag:s12] =	ssyncadd.s32 $0xFFFFC000  }
0x2d: {  	[tilespmem:s15], [sflag:$0x1] =	stream.indirect.gather [hbm4b:s4+s14], $0x80, s18, s14, $0xb8;
	[tilespmem:$0x1D000] =	vst v63  }
0x2e: {  	_ =	swait.ge [sflag:s16], $0x4000  }
0x2f: {  	[sflag:s16] =	ssyncset.done $0x0  }
0x30: {  	s18 =	sadd.s32 $0x2800, s18;
	[sflag:s16] =	ssyncadd.s32 $0xFFFFC000  }
0x31: {  	[spmem:s2] =	stream.indirect.scatter.add.f32 [tilespmem:s15], [sflag:$0x2], $0x80, s18, s14, $0xb8;
	[tilespmem:$0x1D000] =	vst v63  }
0x32: {  	_ =	swait.ge [sflag:s12], $0x4000  }
0x33: {  	s17 =	sadd.s32 $0x1, s17;
	[sflag:s12] =	ssyncset.done $0x0  }
0x34: {  	p0 =	sne.s32 s17, s10;
	[sflag:s12] =	ssyncadd.s32 $0xFFFFC000  }
.Ltmp1:
0x35: {  	[bflag:$0x0] =	sbarrier.arrive $0xFFFF;
	(pc) =	sbr.rel @p0 .LBB2_1-.Ltmp1, $4  }
0x36: {  	[hbm:s9], [sflag:s6] =	dma.local [spmem:s11], $0x2800  }
0x37: {  	_ =	swait.ge [sflag:s12], $0x2800  }
0x38: {  	[sflag:s12] =	ssyncset.done $0x0  }
0x39: {  	[sflag:s12] =	ssyncadd.s32 $0xFFFFD800  }
0x3a: {  	_ =	sfence.sel $0x180000  }
0x3b: {  	[bflag:$0x0] =	sbarrier.arrive $0xFFFF  }
0x3c: {  	p0 =	sne.s32 s0, $0x0;
	_ =	strace $0x90000050  }
0x3d: {  	s0 =	sadd.s32 @!p0 $0x100000, s1;
	[bflag:$0x2] =	sbarrier.arrive $0xFFFF  }
0x3e: {  	[sflag:s0] =	ssyncadd.tile.s32 @!p0 $0x1;
	_ =	shalt  }
.Lfunc_end2:
_tile_overlayer_lowered:
.L_overlay_start_2:
0x3f: {  	(tag) =	ssettag $0x2  }
0x40: {  	s0 =	rddreg [dreg:$0x0];
	s2 =	stileid.u32  }
0x41: {  	s1 =	rddreg [dreg:$0x1];
	p0 =	sne.s32 s2, $0x0  }
0x42: {  	s3 =	rddreg [dreg:$0x2];
	[bflag:$0x3] =	sbarrier.arrive $0xFFFF;
	s2 =	simm.s32 @!p0 $0x1C02  }
0x43: {  	[timem:s3], [sflag:s2] =	dma.local @!p0 [hbm:s0], s1  }
0x44: {  	s0 =	simm.s32 @!p0 $0x2  }
0x45: {  	_ =	swait.ge @!p0 [sflag:s0], s1  }
0x46: {  	s1 =	ssub.s32 @!p0 $0x0, s1;
	[sflag:s0] =	ssyncset.done @!p0 $0x0  }
0x47: {  	[sflag:s0] =	ssyncadd.s32 @!p0 s1  }
0x48: {  	[bflag:$0x3] =	sbarrier.arrive $0xFFFF  }
0x49: {  	_ =	shalt  }

</sc_bundles>
